<compile_context>
chip_gen: v7x
topology: tpu7x:2x2x1
jax: 0.10.2.dev20260603
libtpu: 0.0.44.dev20260713+nightly
codegen_flags: <defaults>
</compile_context>

<pallas_src>
import jax
import jax.numpy as jnp
from jax import lax
from jax.experimental import pallas as pl
from jax.experimental.pallas import tpu as pltpu
from jax.experimental.pallas import tpu_sc as plsc

_NC = 2
_NS = 16
_NW = _NC * _NS
_B = 4096
_PW = _B // _NW
_D = 128
_CK = 4
_CHUNKS = ((0, 16), (16, 16), (32, 32), (64, 64))
_WAIT_AT = (0, 1, 2, 4)
_MARGIN = 1.0


def _rsqrt(x):
    i = lax.bitcast_convert_type(x, jnp.int32)
    i = jnp.int32(0x5F3759DF) - lax.shift_right_logical(i, 1)
    y = lax.bitcast_convert_type(i, jnp.float32)
    for _ in range(3):
        y = y * (jnp.float32(1.5) - jnp.float32(0.5) * x * y * y)
    return y


def _body(ent, rel, iph_h, ipr_h, ipt_h, inh_h, inr_h, int_h, out,
          iph, ipr, ipt, inh, inr, itn, rpe, rne, rr, lv, sem_i,
          sem0, sem1, sem2, sem3):
    wid = lax.axis_index("s") * _NC + lax.axis_index("c")
    base = wid * _PW

    stage = [
        pltpu.async_copy(iph_h.at[pl.ds(base, _PW)], iph, sem_i),
        pltpu.async_copy(ipr_h.at[pl.ds(base, _PW)], ipr, sem_i),
        pltpu.async_copy(ipt_h.at[pl.ds(base, _PW)], ipt, sem_i),
        pltpu.async_copy(inh_h.at[pl.ds(base, _PW)], inh, sem_i),
        pltpu.async_copy(inr_h.at[pl.ds(base, _PW)], inr, sem_i),
        pltpu.async_copy(int_h.at[pl.ds(base, _PW)], itn, sem_i),
    ]
    for c in stage:
        c.wait()

    sems = (sem0, sem1, sem2, sem3)
    copies = []
    for ch in range(_CK):
        start, size = _CHUNKS[ch]
        isl = pl.ds(start, size)
        psl = pl.ds(start, size)
        nsl = pl.ds(_PW + start, size)
        copies.append((
            pltpu.async_copy(ent.at[iph.at[isl]], rpe.at[psl], sems[ch]),
            pltpu.async_copy(ent.at[ipt.at[isl]], rne.at[psl], sems[ch]),
            pltpu.async_copy(rel.at[ipr.at[isl]], rr.at[psl], sems[ch]),
            pltpu.async_copy(ent.at[inh.at[isl]], rpe.at[nsl], sems[ch]),
            pltpu.async_copy(ent.at[itn.at[isl]], rne.at[nsl], sems[ch]),
            pltpu.async_copy(rel.at[inr.at[isl]], rr.at[nsl], sems[ch]),
        ))

    lane = lax.iota(jnp.int32, 16)
    zero = jnp.zeros((16,), jnp.float32)
    two = jnp.float32(2.0)
    eps_n = jnp.float32(1e-24)
    eps_d = jnp.float32(1e-12)

    def dim_body(d, acc):
        (pbase, nbase,
         psh, psr, pst, pshr, psht, psrt,
         nsh, nsr, nst, nshr, nsht, nsrt) = acc
        dv = (jnp.full((16,), d, jnp.int32) + lane) & jnp.int32(_D - 1)
        hh = plsc.load_gather(rpe, [pbase, dv])
        rv = plsc.load_gather(rr, [pbase, dv])
        tt = plsc.load_gather(rne, [pbase, dv])
        psh = psh + hh * hh
        psr = psr + rv * rv
        pst = pst + tt * tt
        pshr = pshr + hh * rv
        psht = psht + hh * tt
        psrt = psrt + rv * tt
        hh = plsc.load_gather(rpe, [nbase, dv])
        rv = plsc.load_gather(rr, [nbase, dv])
        tt = plsc.load_gather(rne, [nbase, dv])
        nsh = nsh + hh * hh
        nsr = nsr + rv * rv
        nst = nst + tt * tt
        nshr = nshr + hh * rv
        nsht = nsht + hh * tt
        nsrt = nsrt + rv * tt
        return (pbase, nbase,
                psh, psr, pst, pshr, psht, psrt,
                nsh, nsr, nst, nshr, nsht, nsrt)

    def group_body(gg, loss):
        for ch in range(_CK):
            @pl.when(gg == jnp.int32(_WAIT_AT[ch]))
            def _wait():
                for cp in copies[ch]:
                    cp.wait()

        if True:
            pbase = lane + gg * 16
            nbase = pbase + jnp.int32(_PW)
            acc = lax.fori_loop(0, _D, dim_body,
                                (pbase, nbase) + (zero,) * 12, unroll=16)
            (psh, psr, pst, pshr, psht, psrt,
             nsh, nsr, nst, nshr, nsht, nsrt) = acc[2:]

            ih = _rsqrt(jnp.maximum(psh, eps_n))
            it = _rsqrt(jnp.maximum(pst, eps_n))
            sp = (psh * ih * ih + psr + pst * it * it
                  + two * (ih * pshr - ih * it * psht - it * psrt)) + eps_d
            ih = _rsqrt(jnp.maximum(nsh, eps_n))
            it = _rsqrt(jnp.maximum(nst, eps_n))
            sn = (nsh * ih * ih + nsr + nst * it * it
                  + two * (ih * nshr - ih * it * nsht - it * nsrt)) + eps_d
            dp = sp * _rsqrt(sp)
            dn = sn * _rsqrt(sn)
            return loss + jnp.maximum(dp - dn + jnp.float32(_MARGIN),
                                      jnp.float32(0.0))

    loss = lax.fori_loop(0, _PW // 16, group_body, zero)

    lv[...] = loss
    pltpu.sync_copy(lv, out.at[wid])


@jax.jit
def _transe_loss(entity_emb, relation_emb, iph, ipr, ipt, inh, inr, itn):
    mesh = plsc.VectorSubcoreMesh(core_axis_name="c", subcore_axis_name="s")
    f = pl.kernel(
        _body,
        out_type=jax.ShapeDtypeStruct((_NW, 16), jnp.float32),
        mesh=mesh,
        compiler_params=pltpu.CompilerParams(needs_layout_passes=False),
        scratch_types=[
            pltpu.VMEM((_PW,), jnp.int32),
            pltpu.VMEM((_PW,), jnp.int32),
            pltpu.VMEM((_PW,), jnp.int32),
            pltpu.VMEM((_PW,), jnp.int32),
            pltpu.VMEM((_PW,), jnp.int32),
            pltpu.VMEM((_PW,), jnp.int32),
            pltpu.VMEM((2 * _PW, _D), jnp.float32),
            pltpu.VMEM((2 * _PW, _D), jnp.float32),
            pltpu.VMEM((2 * _PW, _D), jnp.float32),
            pltpu.VMEM((16,), jnp.float32),
            pltpu.SemaphoreType.DMA,
            pltpu.SemaphoreType.DMA,
            pltpu.SemaphoreType.DMA,
            pltpu.SemaphoreType.DMA,
            pltpu.SemaphoreType.DMA,
        ],
    )
    partials = f(entity_emb, relation_emb, iph, ipr, ipt, inh, inr, itn)
    return jnp.sum(partials)


def kernel(entity_emb, relation_emb, pos_heads, pos_rels, pos_tails,
           neg_heads, neg_rels, neg_tails):
    idx = [x.astype(jnp.int32) for x in (pos_heads, pos_rels, pos_tails,
                                         neg_heads, neg_rels, neg_tails)]
    return _transe_loss(entity_emb, relation_emb, *idx)

# --- scband reference (transcript-rebuilt; emitter-appended) ---
"""Pipeline reference for scband-trans-e-21440476742086 (READ-ONLY COPY).

The authoritative reference and input builder live on the scoring server;
editing this copy changes nothing except your own understanding.
"""

import jax, jax.numpy as jnp
import numpy as np

NUM_ENTITIES = 100000
NUM_RELATIONS = 1000
EMBED_DIM = 128
BATCH = 4096
MARGIN = 1.0
P_NORM = 2


def setup_inputs(seed: int = 0) -> dict:
    key = jax.random.key(seed)
    k1, k2, k3, k4, k5, k6, k7, k8 = jax.random.split(key, 8)
    entity_emb = jax.random.normal(k1, (NUM_ENTITIES, EMBED_DIM), dtype=jnp.float32)
    relation_emb = jax.random.normal(k2, (NUM_RELATIONS, EMBED_DIM), dtype=jnp.float32)
    pos_heads = jax.random.randint(k3, (BATCH,), 0, NUM_ENTITIES, dtype=jnp.int64 if jax.config.jax_enable_x64 else jnp.int32)
    pos_rels = jax.random.randint(k4, (BATCH,), 0, NUM_RELATIONS)
    pos_tails = jax.random.randint(k5, (BATCH,), 0, NUM_ENTITIES)
    neg_heads = jax.random.randint(k6, (BATCH,), 0, NUM_ENTITIES)
    neg_rels = jax.random.randint(k7, (BATCH,), 0, NUM_RELATIONS)
    neg_tails = jax.random.randint(k8, (BATCH,), 0, NUM_ENTITIES)
    return {
        'entity_emb': entity_emb,
        'relation_emb': relation_emb,
        'pos_heads': pos_heads,
        'pos_rels': pos_rels,
        'pos_tails': pos_tails,
        'neg_heads': neg_heads,
        'neg_rels': neg_rels,
        'neg_tails': neg_tails,
    }


def reference(entity_emb, relation_emb, pos_heads, pos_rels, pos_tails, neg_heads, neg_rels, neg_tails):
    # norm_weight(): TransE renormalizes entity embeddings to unit L2 norm before each loss
    ent_norm = jnp.linalg.norm(entity_emb, axis=1, keepdims=True)
    ee = entity_emb / jnp.maximum(ent_norm, 1e-12)

    def transe_dis(h_idx, r_idx, t_idx):
        h = jnp.take(ee, h_idx, axis=0)
        r = jnp.take(relation_emb, r_idx, axis=0)
        t = jnp.take(ee, t_idx, axis=0)
        diff = h + r - t
        if P_NORM == 1:
            return jnp.sum(jnp.abs(diff), axis=-1)
        return jnp.sqrt(jnp.sum(diff * diff, axis=-1) + 1e-12)

    pos_dis = transe_dis(pos_heads, pos_rels, pos_tails)
    neg_dis = transe_dis(neg_heads, neg_rels, neg_tails)
    loss = jnp.sum(jax.nn.relu(MARGIN + pos_dis - neg_dis))
    return loss

if __name__ == "__main__":
    import jax
    _d = setup_inputs()
    print(jax.jit(kernel)(*tuple(_d.values())))

</pallas_src>

<mosaic_0001>
#map = affine_map<(d0, d1) -> (0, 0)>
#map1 = affine_map<(d0, d1) -> (0)>
module attributes {stable_mosaic.version = 14 : i64} {
  func.func @_body(%arg0: i32, %arg1: i32, %arg2: memref<100000x128xf32, #tpu.memory_space<hbm>>, %arg3: memref<1000x128xf32, #tpu.memory_space<hbm>>, %arg4: memref<4096xi32, #tpu.memory_space<hbm>>, %arg5: memref<4096xi32, #tpu.memory_space<hbm>>, %arg6: memref<4096xi32, #tpu.memory_space<hbm>>, %arg7: memref<4096xi32, #tpu.memory_space<hbm>>, %arg8: memref<4096xi32, #tpu.memory_space<hbm>>, %arg9: memref<4096xi32, #tpu.memory_space<hbm>>, %arg10: memref<32x16xf32, #tpu.memory_space<hbm>>, %arg11: memref<128xi32, #tpu.memory_space<vmem>>, %arg12: memref<128xi32, #tpu.memory_space<vmem>>, %arg13: memref<128xi32, #tpu.memory_space<vmem>>, %arg14: memref<128xi32, #tpu.memory_space<vmem>>, %arg15: memref<128xi32, #tpu.memory_space<vmem>>, %arg16: memref<128xi32, #tpu.memory_space<vmem>>, %arg17: memref<256x128xf32, #tpu.memory_space<vmem>>, %arg18: memref<256x128xf32, #tpu.memory_space<vmem>>, %arg19: memref<256x128xf32, #tpu.memory_space<vmem>>, %arg20: memref<16xf32, #tpu.memory_space<vmem>>, %arg21: memref<!tpu.dma_semaphore, #tpu.memory_space<semaphore_mem>>, %arg22: memref<!tpu.dma_semaphore, #tpu.memory_space<semaphore_mem>>, %arg23: memref<!tpu.dma_semaphore, #tpu.memory_space<semaphore_mem>>, %arg24: memref<!tpu.dma_semaphore, #tpu.memory_space<semaphore_mem>>, %arg25: memref<!tpu.dma_semaphore, #tpu.memory_space<semaphore_mem>>) attributes {dimension_semantics = [#tpu.dimension_semantics<core_parallel>, #tpu.dimension_semantics<subcore_parallel>], iteration_bounds = array<i64: 2, 16>, scalar_prefetch = 0 : i64, scratch_operands = 15 : i64, tpu.core_type = #tpu.core_type<sc_vector_subcore>, window_params = [{transform_indices = #map}, {transform_indices = #map}, {transform_indices = #map1}, {transform_indices = #map1}, {transform_indices = #map1}, {transform_indices = #map1}, {transform_indices = #map1}, {transform_indices = #map1}, {transform_indices = #map}]} {
    %mul3A = arith.constant 2 : i32
    %mul3A_0 = arith.muli %arg1, %mul3A : i32
    %add3A = arith.addi %mul3A_0, %arg0 : i32
    %mul3A_1 = arith.constant 128 : i32
    %mul3A_2 = arith.muli %add3A, %mul3A_1 : i32
    %dma_start3A = tpu.memref_slice %arg4[%mul3A_2] : memref<4096xi32, #tpu.memory_space<hbm>> -> memref<128xi32, #tpu.memory_space<hbm>>
    %dma_start3A_3 = tpu.memref_slice %arg4[%mul3A_2] : memref<4096xi32, #tpu.memory_space<hbm>> -> memref<128xi32, #tpu.memory_space<hbm>>
    tpu.enqueue_dma source(%dma_start3A_3 : memref<128xi32, #tpu.memory_space<hbm>>) target(%arg11 : memref<128xi32, #tpu.memory_space<vmem>>) target_semaphore(%arg21 : memref<!tpu.dma_semaphore, #tpu.memory_space<semaphore_mem>>)
    %dma_start3A_4 = tpu.memref_slice %arg5[%mul3A_2] : memref<4096xi32, #tpu.memory_space<hbm>> -> memref<128xi32, #tpu.memory_space<hbm>>
    %dma_start3A_5 = tpu.memref_slice %arg5[%mul3A_2] : memref<4096xi32, #tpu.memory_space<hbm>> -> memref<128xi32, #tpu.memory_space<hbm>>
    tpu.enqueue_dma source(%dma_start3A_5 : memref<128xi32, #tpu.memory_space<hbm>>) target(%arg12 : memref<128xi32, #tpu.memory_space<vmem>>) target_semaphore(%arg21 : memref<!tpu.dma_semaphore, #tpu.memory_space<semaphore_mem>>)
    %dma_start3A_6 = tpu.memref_slice %arg6[%mul3A_2] : memref<4096xi32, #tpu.memory_space<hbm>> -> memref<128xi32, #tpu.memory_space<hbm>>
    %dma_start3A_7 = tpu.memref_slice %arg6[%mul3A_2] : memref<4096xi32, #tpu.memory_space<hbm>> -> memref<128xi32, #tpu.memory_space<hbm>>
    tpu.enqueue_dma source(%dma_start3A_7 : memref<128xi32, #tpu.memory_space<hbm>>) target(%arg13 : memref<128xi32, #tpu.memory_space<vmem>>) target_semaphore(%arg21 : memref<!tpu.dma_semaphore, #tpu.memory_space<semaphore_mem>>)
    %dma_start3A_8 = tpu.memref_slice %arg7[%mul3A_2] : memref<4096xi32, #tpu.memory_space<hbm>> -> memref<128xi32, #tpu.memory_space<hbm>>
    %dma_start3A_9 = tpu.memref_slice %arg7[%mul3A_2] : memref<4096xi32, #tpu.memory_space<hbm>> -> memref<128xi32, #tpu.memory_space<hbm>>
    tpu.enqueue_dma source(%dma_start3A_9 : memref<128xi32, #tpu.memory_space<hbm>>) target(%arg14 : memref<128xi32, #tpu.memory_space<vmem>>) target_semaphore(%arg21 : memref<!tpu.dma_semaphore, #tpu.memory_space<semaphore_mem>>)
    %dma_start3A_10 = tpu.memref_slice %arg8[%mul3A_2] : memref<4096xi32, #tpu.memory_space<hbm>> -> memref<128xi32, #tpu.memory_space<hbm>>
    %dma_start3A_11 = tpu.memref_slice %arg8[%mul3A_2] : memref<4096xi32, #tpu.memory_space<hbm>> -> memref<128xi32, #tpu.memory_space<hbm>>
    tpu.enqueue_dma source(%dma_start3A_11 : memref<128xi32, #tpu.memory_space<hbm>>) target(%arg15 : memref<128xi32, #tpu.memory_space<vmem>>) target_semaphore(%arg21 : memref<!tpu.dma_semaphore, #tpu.memory_space<semaphore_mem>>)
    %dma_start3A_12 = tpu.memref_slice %arg9[%mul3A_2] : memref<4096xi32, #tpu.memory_space<hbm>> -> memref<128xi32, #tpu.memory_space<hbm>>
    %dma_start3A_13 = tpu.memref_slice %arg9[%mul3A_2] : memref<4096xi32, #tpu.memory_space<hbm>> -> memref<128xi32, #tpu.memory_space<hbm>>
    tpu.enqueue_dma source(%dma_start3A_13 : memref<128xi32, #tpu.memory_space<hbm>>) target(%arg16 : memref<128xi32, #tpu.memory_space<vmem>>) target_semaphore(%arg21 : memref<!tpu.dma_semaphore, #tpu.memory_space<semaphore_mem>>)
    %dma_wait3A = tpu.memref_slice %arg4[%mul3A_2] : memref<4096xi32, #tpu.memory_space<hbm>> -> memref<128xi32, #tpu.memory_space<hbm>>
    %dma_wait3A_14 = tpu.memref_slice %arg4[%mul3A_2] : memref<4096xi32, #tpu.memory_space<hbm>> -> memref<128xi32, #tpu.memory_space<hbm>>
    tpu.wait_dma2 semaphore(%arg21 : memref<!tpu.dma_semaphore, #tpu.memory_space<semaphore_mem>>) src(%dma_wait3A_14 : memref<128xi32, #tpu.memory_space<hbm>>) dst(%arg11 : memref<128xi32, #tpu.memory_space<vmem>>)
    %dma_wait3A_15 = tpu.memref_slice %arg5[%mul3A_2] : memref<4096xi32, #tpu.memory_space<hbm>> -> memref<128xi32, #tpu.memory_space<hbm>>
    %dma_wait3A_16 = tpu.memref_slice %arg5[%mul3A_2] : memref<4096xi32, #tpu.memory_space<hbm>> -> memref<128xi32, #tpu.memory_space<hbm>>
    tpu.wait_dma2 semaphore(%arg21 : memref<!tpu.dma_semaphore, #tpu.memory_space<semaphore_mem>>) src(%dma_wait3A_16 : memref<128xi32, #tpu.memory_space<hbm>>) dst(%arg12 : memref<128xi32, #tpu.memory_space<vmem>>)
    %dma_wait3A_17 = tpu.memref_slice %arg6[%mul3A_2] : memref<4096xi32, #tpu.memory_space<hbm>> -> memref<128xi32, #tpu.memory_space<hbm>>
    %dma_wait3A_18 = tpu.memref_slice %arg6[%mul3A_2] : memref<4096xi32, #tpu.memory_space<hbm>> -> memref<128xi32, #tpu.memory_space<hbm>>
    tpu.wait_dma2 semaphore(%arg21 : memref<!tpu.dma_semaphore, #tpu.memory_space<semaphore_mem>>) src(%dma_wait3A_18 : memref<128xi32, #tpu.memory_space<hbm>>) dst(%arg13 : memref<128xi32, #tpu.memory_space<vmem>>)
    %dma_wait3A_19 = tpu.memref_slice %arg7[%mul3A_2] : memref<4096xi32, #tpu.memory_space<hbm>> -> memref<128xi32, #tpu.memory_space<hbm>>
    %dma_wait3A_20 = tpu.memref_slice %arg7[%mul3A_2] : memref<4096xi32, #tpu.memory_space<hbm>> -> memref<128xi32, #tpu.memory_space<hbm>>
    tpu.wait_dma2 semaphore(%arg21 : memref<!tpu.dma_semaphore, #tpu.memory_space<semaphore_mem>>) src(%dma_wait3A_20 : memref<128xi32, #tpu.memory_space<hbm>>) dst(%arg14 : memref<128xi32, #tpu.memory_space<vmem>>)
    %dma_wait3A_21 = tpu.memref_slice %arg8[%mul3A_2] : memref<4096xi32, #tpu.memory_space<hbm>> -> memref<128xi32, #tpu.memory_space<hbm>>
    %dma_wait3A_22 = tpu.memref_slice %arg8[%mul3A_2] : memref<4096xi32, #tpu.memory_space<hbm>> -> memref<128xi32, #tpu.memory_space<hbm>>
    tpu.wait_dma2 semaphore(%arg21 : memref<!tpu.dma_semaphore, #tpu.memory_space<semaphore_mem>>) src(%dma_wait3A_22 : memref<128xi32, #tpu.memory_space<hbm>>) dst(%arg15 : memref<128xi32, #tpu.memory_space<vmem>>)
    %dma_wait3A_23 = tpu.memref_slice %arg9[%mul3A_2] : memref<4096xi32, #tpu.memory_space<hbm>> -> memref<128xi32, #tpu.memory_space<hbm>>
    %dma_wait3A_24 = tpu.memref_slice %arg9[%mul3A_2] : memref<4096xi32, #tpu.memory_space<hbm>> -> memref<128xi32, #tpu.memory_space<hbm>>
    tpu.wait_dma2 semaphore(%arg21 : memref<!tpu.dma_semaphore, #tpu.memory_space<semaphore_mem>>) src(%dma_wait3A_24 : memref<128xi32, #tpu.memory_space<hbm>>) dst(%arg16 : memref<128xi32, #tpu.memory_space<vmem>>)
    %dma_start3A_25 = arith.constant 0 : i32
    %dma_start3A_26 = arith.constant 0 : i32
    %dma_start3A_27 = tpu.memref_slice %arg17[%dma_start3A_25, %dma_start3A_26] : memref<256x128xf32, #tpu.memory_space<vmem>> -> memref<16x128xf32, #tpu.memory_space<vmem>>
    %dma_start3A_28 = arith.constant 0 : i32
    %dma_start3A_29 = tpu.memref_slice %arg11[%dma_start3A_28] : memref<128xi32, #tpu.memory_space<vmem>> -> memref<16xi32, #tpu.memory_space<vmem>>
    %dma_start3A_30 = arith.constant 0 : i32
    %dma_start3A_31 = arith.constant 0 : i32
    %dma_start3A_32 = tpu.memref_slice %arg2[%dma_start3A_30, %dma_start3A_31] : memref<100000x128xf32, #tpu.memory_space<hbm>> -> memref<100000x128xf32, #tpu.memory_space<hbm>>
    tpu.enqueue_indirect_dma source(%dma_start3A_32 : memref<100000x128xf32, #tpu.memory_space<hbm>>) target(%dma_start3A_27 : memref<16x128xf32, #tpu.memory_space<vmem>>) offsets(%dma_start3A_29 : memref<16xi32, #tpu.memory_space<vmem>>) semaphore(%arg22 : memref<!tpu.dma_semaphore, #tpu.memory_space<semaphore_mem>>)
    %dma_start3A_33 = arith.constant 0 : i32
    %dma_start3A_34 = arith.constant 0 : i32
    %dma_start3A_35 = tpu.memref_slice %arg18[%dma_start3A_33, %dma_start3A_34] : memref<256x128xf32, #tpu.memory_space<vmem>> -> memref<16x128xf32, #tpu.memory_space<vmem>>
    %dma_start3A_36 = arith.constant 0 : i32
    %dma_start3A_37 = tpu.memref_slice %arg13[%dma_start3A_36] : memref<128xi32, #tpu.memory_space<vmem>> -> memref<16xi32, #tpu.memory_space<vmem>>
    %dma_start3A_38 = arith.constant 0 : i32
    %dma_start3A_39 = arith.constant 0 : i32
    %dma_start3A_40 = tpu.memref_slice %arg2[%dma_start3A_38, %dma_start3A_39] : memref<100000x128xf32, #tpu.memory_space<hbm>> -> memref<100000x128xf32, #tpu.memory_space<hbm>>
    tpu.enqueue_indirect_dma source(%dma_start3A_40 : memref<100000x128xf32, #tpu.memory_space<hbm>>) target(%dma_start3A_35 : memref<16x128xf32, #tpu.memory_space<vmem>>) offsets(%dma_start3A_37 : memref<16xi32, #tpu.memory_space<vmem>>) semaphore(%arg22 : memref<!tpu.dma_semaphore, #tpu.memory_space<semaphore_mem>>)
    %dma_start3A_41 = arith.constant 0 : i32
    %dma_start3A_42 = arith.constant 0 : i32
    %dma_start3A_43 = tpu.memref_slice %arg19[%dma_start3A_41, %dma_start3A_42] : memref<256x128xf32, #tpu.memory_space<vmem>> -> memref<16x128xf32, #tpu.memory_space<vmem>>
    %dma_start3A_44 = arith.constant 0 : i32
    %dma_start3A_45 = tpu.memref_slice %arg12[%dma_start3A_44] : memref<128xi32, #tpu.memory_space<vmem>> -> memref<16xi32, #tpu.memory_space<vmem>>
    %dma_start3A_46 = arith.constant 0 : i32
    %dma_start3A_47 = arith.constant 0 : i32
    %dma_start3A_48 = tpu.memref_slice %arg3[%dma_start3A_46, %dma_start3A_47] : memref<1000x128xf32, #tpu.memory_space<hbm>> -> memref<1000x128xf32, #tpu.memory_space<hbm>>
    tpu.enqueue_indirect_dma source(%dma_start3A_48 : memref<1000x128xf32, #tpu.memory_space<hbm>>) target(%dma_start3A_43 : memref<16x128xf32, #tpu.memory_space<vmem>>) offsets(%dma_start3A_45 : memref<16xi32, #tpu.memory_space<vmem>>) semaphore(%arg22 : memref<!tpu.dma_semaphore, #tpu.memory_space<semaphore_mem>>)
    %dma_start3A_49 = arith.constant 128 : i32
    %dma_start3A_50 = arith.constant 0 : i32
    %dma_start3A_51 = tpu.memref_slice %arg17[%dma_start3A_49, %dma_start3A_50] : memref<256x128xf32, #tpu.memory_space<vmem>> -> memref<16x128xf32, #tpu.memory_space<vmem>>
    %dma_start3A_52 = arith.constant 0 : i32
    %dma_start3A_53 = tpu.memref_slice %arg14[%dma_start3A_52] : memref<128xi32, #tpu.memory_space<vmem>> -> memref<16xi32, #tpu.memory_space<vmem>>
    %dma_start3A_54 = arith.constant 0 : i32
    %dma_start3A_55 = arith.constant 0 : i32
    %dma_start3A_56 = tpu.memref_slice %arg2[%dma_start3A_54, %dma_start3A_55] : memref<100000x128xf32, #tpu.memory_space<hbm>> -> memref<100000x128xf32, #tpu.memory_space<hbm>>
    tpu.enqueue_indirect_dma source(%dma_start3A_56 : memref<100000x128xf32, #tpu.memory_space<hbm>>) target(%dma_start3A_51 : memref<16x128xf32, #tpu.memory_space<vmem>>) offsets(%dma_start3A_53 : memref<16xi32, #tpu.memory_space<vmem>>) semaphore(%arg22 : memref<!tpu.dma_semaphore, #tpu.memory_space<semaphore_mem>>)
    %dma_start3A_57 = arith.constant 128 : i32
    %dma_start3A_58 = arith.constant 0 : i32
    %dma_start3A_59 = tpu.memref_slice %arg18[%dma_start3A_57, %dma_start3A_58] : memref<256x128xf32, #tpu.memory_space<vmem>> -> memref<16x128xf32, #tpu.memory_space<vmem>>
    %dma_start3A_60 = arith.constant 0 : i32
    %dma_start3A_61 = tpu.memref_slice %arg16[%dma_start3A_60] : memref<128xi32, #tpu.memory_space<vmem>> -> memref<16xi32, #tpu.memory_space<vmem>>
    %dma_start3A_62 = arith.constant 0 : i32
    %dma_start3A_63 = arith.constant 0 : i32
    %dma_start3A_64 = tpu.memref_slice %arg2[%dma_start3A_62, %dma_start3A_63] : memref<100000x128xf32, #tpu.memory_space<hbm>> -> memref<100000x128xf32, #tpu.memory_space<hbm>>
    tpu.enqueue_indirect_dma source(%dma_start3A_64 : memref<100000x128xf32, #tpu.memory_space<hbm>>) target(%dma_start3A_59 : memref<16x128xf32, #tpu.memory_space<vmem>>) offsets(%dma_start3A_61 : memref<16xi32, #tpu.memory_space<vmem>>) semaphore(%arg22 : memref<!tpu.dma_semaphore, #tpu.memory_space<semaphore_mem>>)
    %dma_start3A_65 = arith.constant 128 : i32
    %dma_start3A_66 = arith.constant 0 : i32
    %dma_start3A_67 = tpu.memref_slice %arg19[%dma_start3A_65, %dma_start3A_66] : memref<256x128xf32, #tpu.memory_space<vmem>> -> memref<16x128xf32, #tpu.memory_space<vmem>>
    %dma_start3A_68 = arith.constant 0 : i32
    %dma_start3A_69 = tpu.memref_slice %arg15[%dma_start3A_68] : memref<128xi32, #tpu.memory_space<vmem>> -> memref<16xi32, #tpu.memory_space<vmem>>
    %dma_start3A_70 = arith.constant 0 : i32
    %dma_start3A_71 = arith.constant 0 : i32
    %dma_start3A_72 = tpu.memref_slice %arg3[%dma_start3A_70, %dma_start3A_71] : memref<1000x128xf32, #tpu.memory_space<hbm>> -> memref<1000x128xf32, #tpu.memory_space<hbm>>
    tpu.enqueue_indirect_dma source(%dma_start3A_72 : memref<1000x128xf32, #tpu.memory_space<hbm>>) target(%dma_start3A_67 : memref<16x128xf32, #tpu.memory_space<vmem>>) offsets(%dma_start3A_69 : memref<16xi32, #tpu.memory_space<vmem>>) semaphore(%arg22 : memref<!tpu.dma_semaphore, #tpu.memory_space<semaphore_mem>>)
    %dma_start3A_73 = arith.constant 16 : i32
    %dma_start3A_74 = arith.constant 0 : i32
    %dma_start3A_75 = tpu.memref_slice %arg17[%dma_start3A_73, %dma_start3A_74] : memref<256x128xf32, #tpu.memory_space<vmem>> -> memref<16x128xf32, #tpu.memory_space<vmem>>
    %dma_start3A_76 = arith.constant 16 : i32
    %dma_start3A_77 = tpu.memref_slice %arg11[%dma_start3A_76] : memref<128xi32, #tpu.memory_space<vmem>> -> memref<16xi32, #tpu.memory_space<vmem>>
    %dma_start3A_78 = arith.constant 0 : i32
    %dma_start3A_79 = arith.constant 0 : i32
    %dma_start3A_80 = tpu.memref_slice %arg2[%dma_start3A_78, %dma_start3A_79] : memref<100000x128xf32, #tpu.memory_space<hbm>> -> memref<100000x128xf32, #tpu.memory_space<hbm>>
    tpu.enqueue_indirect_dma source(%dma_start3A_80 : memref<100000x128xf32, #tpu.memory_space<hbm>>) target(%dma_start3A_75 : memref<16x128xf32, #tpu.memory_space<vmem>>) offsets(%dma_start3A_77 : memref<16xi32, #tpu.memory_space<vmem>>) semaphore(%arg23 : memref<!tpu.dma_semaphore, #tpu.memory_space<semaphore_mem>>)
    %dma_start3A_81 = arith.constant 16 : i32
    %dma_start3A_82 = arith.constant 0 : i32
    %dma_start3A_83 = tpu.memref_slice %arg18[%dma_start3A_81, %dma_start3A_82] : memref<256x128xf32, #tpu.memory_space<vmem>> -> memref<16x128xf32, #tpu.memory_space<vmem>>
    %dma_start3A_84 = arith.constant 16 : i32
    %dma_start3A_85 = tpu.memref_slice %arg13[%dma_start3A_84] : memref<128xi32, #tpu.memory_space<vmem>> -> memref<16xi32, #tpu.memory_space<vmem>>
    %dma_start3A_86 = arith.constant 0 : i32
    %dma_start3A_87 = arith.constant 0 : i32
    %dma_start3A_88 = tpu.memref_slice %arg2[%dma_start3A_86, %dma_start3A_87] : memref<100000x128xf32, #tpu.memory_space<hbm>> -> memref<100000x128xf32, #tpu.memory_space<hbm>>
    tpu.enqueue_indirect_dma source(%dma_start3A_88 : memref<100000x128xf32, #tpu.memory_space<hbm>>) target(%dma_start3A_83 : memref<16x128xf32, #tpu.memory_space<vmem>>) offsets(%dma_start3A_85 : memref<16xi32, #tpu.memory_space<vmem>>) semaphore(%arg23 : memref<!tpu.dma_semaphore, #tpu.memory_space<semaphore_mem>>)
    %dma_start3A_89 = arith.constant 16 : i32
    %dma_start3A_90 = arith.constant 0 : i32
    %dma_start3A_91 = tpu.memref_slice %arg19[%dma_start3A_89, %dma_start3A_90] : memref<256x128xf32, #tpu.memory_space<vmem>> -> memref<16x128xf32, #tpu.memory_space<vmem>>
    %dma_start3A_92 = arith.constant 16 : i32
    %dma_start3A_93 = tpu.memref_slice %arg12[%dma_start3A_92] : memref<128xi32, #tpu.memory_space<vmem>> -> memref<16xi32, #tpu.memory_space<vmem>>
    %dma_start3A_94 = arith.constant 0 : i32
    %dma_start3A_95 = arith.constant 0 : i32
    %dma_start3A_96 = tpu.memref_slice %arg3[%dma_start3A_94, %dma_start3A_95] : memref<1000x128xf32, #tpu.memory_space<hbm>> -> memref<1000x128xf32, #tpu.memory_space<hbm>>
    tpu.enqueue_indirect_dma source(%dma_start3A_96 : memref<1000x128xf32, #tpu.memory_space<hbm>>) target(%dma_start3A_91 : memref<16x128xf32, #tpu.memory_space<vmem>>) offsets(%dma_start3A_93 : memref<16xi32, #tpu.memory_space<vmem>>) semaphore(%arg23 : memref<!tpu.dma_semaphore, #tpu.memory_space<semaphore_mem>>)
    %dma_start3A_97 = arith.constant 144 : i32
    %dma_start3A_98 = arith.constant 0 : i32
    %dma_start3A_99 = tpu.memref_slice %arg17[%dma_start3A_97, %dma_start3A_98] : memref<256x128xf32, #tpu.memory_space<vmem>> -> memref<16x128xf32, #tpu.memory_space<vmem>>
    %dma_start3A_100 = arith.constant 16 : i32
    %dma_start3A_101 = tpu.memref_slice %arg14[%dma_start3A_100] : memref<128xi32, #tpu.memory_space<vmem>> -> memref<16xi32, #tpu.memory_space<vmem>>
    %dma_start3A_102 = arith.constant 0 : i32
    %dma_start3A_103 = arith.constant 0 : i32
    %dma_start3A_104 = tpu.memref_slice %arg2[%dma_start3A_102, %dma_start3A_103] : memref<100000x128xf32, #tpu.memory_space<hbm>> -> memref<100000x128xf32, #tpu.memory_space<hbm>>
    tpu.enqueue_indirect_dma source(%dma_start3A_104 : memref<100000x128xf32, #tpu.memory_space<hbm>>) target(%dma_start3A_99 : memref<16x128xf32, #tpu.memory_space<vmem>>) offsets(%dma_start3A_101 : memref<16xi32, #tpu.memory_space<vmem>>) semaphore(%arg23 : memref<!tpu.dma_semaphore, #tpu.memory_space<semaphore_mem>>)
    %dma_start3A_105 = arith.constant 144 : i32
    %dma_start3A_106 = arith.constant 0 : i32
    %dma_start3A_107 = tpu.memref_slice %arg18[%dma_start3A_105, %dma_start3A_106] : memref<256x128xf32, #tpu.memory_space<vmem>> -> memref<16x128xf32, #tpu.memory_space<vmem>>
    %dma_start3A_108 = arith.constant 16 : i32
    %dma_start3A_109 = tpu.memref_slice %arg16[%dma_start3A_108] : memref<128xi32, #tpu.memory_space<vmem>> -> memref<16xi32, #tpu.memory_space<vmem>>
    %dma_start3A_110 = arith.constant 0 : i32
    %dma_start3A_111 = arith.constant 0 : i32
    %dma_start3A_112 = tpu.memref_slice %arg2[%dma_start3A_110, %dma_start3A_111] : memref<100000x128xf32, #tpu.memory_space<hbm>> -> memref<100000x128xf32, #tpu.memory_space<hbm>>
    tpu.enqueue_indirect_dma source(%dma_start3A_112 : memref<100000x128xf32, #tpu.memory_space<hbm>>) target(%dma_start3A_107 : memref<16x128xf32, #tpu.memory_space<vmem>>) offsets(%dma_start3A_109 : memref<16xi32, #tpu.memory_space<vmem>>) semaphore(%arg23 : memref<!tpu.dma_semaphore, #tpu.memory_space<semaphore_mem>>)
    %dma_start3A_113 = arith.constant 144 : i32
    %dma_start3A_114 = arith.constant 0 : i32
    %dma_start3A_115 = tpu.memref_slice %arg19[%dma_start3A_113, %dma_start3A_114] : memref<256x128xf32, #tpu.memory_space<vmem>> -> memref<16x128xf32, #tpu.memory_space<vmem>>
    %dma_start3A_116 = arith.constant 16 : i32
    %dma_start3A_117 = tpu.memref_slice %arg15[%dma_start3A_116] : memref<128xi32, #tpu.memory_space<vmem>> -> memref<16xi32, #tpu.memory_space<vmem>>
    %dma_start3A_118 = arith.constant 0 : i32
    %dma_start3A_119 = arith.constant 0 : i32
    %dma_start3A_120 = tpu.memref_slice %arg3[%dma_start3A_118, %dma_start3A_119] : memref<1000x128xf32, #tpu.memory_space<hbm>> -> memref<1000x128xf32, #tpu.memory_space<hbm>>
    tpu.enqueue_indirect_dma source(%dma_start3A_120 : memref<1000x128xf32, #tpu.memory_space<hbm>>) target(%dma_start3A_115 : memref<16x128xf32, #tpu.memory_space<vmem>>) offsets(%dma_start3A_117 : memref<16xi32, #tpu.memory_space<vmem>>) semaphore(%arg23 : memref<!tpu.dma_semaphore, #tpu.memory_space<semaphore_mem>>)
    %dma_start3A_121 = arith.constant 32 : i32
    %dma_start3A_122 = arith.constant 0 : i32
    %dma_start3A_123 = tpu.memref_slice %arg17[%dma_start3A_121, %dma_start3A_122] : memref<256x128xf32, #tpu.memory_space<vmem>> -> memref<32x128xf32, #tpu.memory_space<vmem>>
    %dma_start3A_124 = arith.constant 32 : i32
    %dma_start3A_125 = tpu.memref_slice %arg11[%dma_start3A_124] : memref<128xi32, #tpu.memory_space<vmem>> -> memref<32xi32, #tpu.memory_space<vmem>>
    %dma_start3A_126 = arith.constant 0 : i32
    %dma_start3A_127 = arith.constant 0 : i32
    %dma_start3A_128 = tpu.memref_slice %arg2[%dma_start3A_126, %dma_start3A_127] : memref<100000x128xf32, #tpu.memory_space<hbm>> -> memref<100000x128xf32, #tpu.memory_space<hbm>>
    tpu.enqueue_indirect_dma source(%dma_start3A_128 : memref<100000x128xf32, #tpu.memory_space<hbm>>) target(%dma_start3A_123 : memref<32x128xf32, #tpu.memory_space<vmem>>) offsets(%dma_start3A_125 : memref<32xi32, #tpu.memory_space<vmem>>) semaphore(%arg24 : memref<!tpu.dma_semaphore, #tpu.memory_space<semaphore_mem>>)
    %dma_start3A_129 = arith.constant 32 : i32
    %dma_start3A_130 = arith.constant 0 : i32
    %dma_start3A_131 = tpu.memref_slice %arg18[%dma_start3A_129, %dma_start3A_130] : memref<256x128xf32, #tpu.memory_space<vmem>> -> memref<32x128xf32, #tpu.memory_space<vmem>>
    %dma_start3A_132 = arith.constant 32 : i32
    %dma_start3A_133 = tpu.memref_slice %arg13[%dma_start3A_132] : memref<128xi32, #tpu.memory_space<vmem>> -> memref<32xi32, #tpu.memory_space<vmem>>
    %dma_start3A_134 = arith.constant 0 : i32
    %dma_start3A_135 = arith.constant 0 : i32
    %dma_start3A_136 = tpu.memref_slice %arg2[%dma_start3A_134, %dma_start3A_135] : memref<100000x128xf32, #tpu.memory_space<hbm>> -> memref<100000x128xf32, #tpu.memory_space<hbm>>
    tpu.enqueue_indirect_dma source(%dma_start3A_136 : memref<100000x128xf32, #tpu.memory_space<hbm>>) target(%dma_start3A_131 : memref<32x128xf32, #tpu.memory_space<vmem>>) offsets(%dma_start3A_133 : memref<32xi32, #tpu.memory_space<vmem>>) semaphore(%arg24 : memref<!tpu.dma_semaphore, #tpu.memory_space<semaphore_mem>>)
    %dma_start3A_137 = arith.constant 32 : i32
    %dma_start3A_138 = arith.constant 0 : i32
    %dma_start3A_139 = tpu.memref_slice %arg19[%dma_start3A_137, %dma_start3A_138] : memref<256x128xf32, #tpu.memory_space<vmem>> -> memref<32x128xf32, #tpu.memory_space<vmem>>
    %dma_start3A_140 = arith.constant 32 : i32
    %dma_start3A_141 = tpu.memref_slice %arg12[%dma_start3A_140] : memref<128xi32, #tpu.memory_space<vmem>> -> memref<32xi32, #tpu.memory_space<vmem>>
    %dma_start3A_142 = arith.constant 0 : i32
    %dma_start3A_143 = arith.constant 0 : i32
    %dma_start3A_144 = tpu.memref_slice %arg3[%dma_start3A_142, %dma_start3A_143] : memref<1000x128xf32, #tpu.memory_space<hbm>> -> memref<1000x128xf32, #tpu.memory_space<hbm>>
    tpu.enqueue_indirect_dma source(%dma_start3A_144 : memref<1000x128xf32, #tpu.memory_space<hbm>>) target(%dma_start3A_139 : memref<32x128xf32, #tpu.memory_space<vmem>>) offsets(%dma_start3A_141 : memref<32xi32, #tpu.memory_space<vmem>>) semaphore(%arg24 : memref<!tpu.dma_semaphore, #tpu.memory_space<semaphore_mem>>)
    %dma_start3A_145 = arith.constant 160 : i32
    %dma_start3A_146 = arith.constant 0 : i32
    %dma_start3A_147 = tpu.memref_slice %arg17[%dma_start3A_145, %dma_start3A_146] : memref<256x128xf32, #tpu.memory_space<vmem>> -> memref<32x128xf32, #tpu.memory_space<vmem>>
    %dma_start3A_148 = arith.constant 32 : i32
    %dma_start3A_149 = tpu.memref_slice %arg14[%dma_start3A_148] : memref<128xi32, #tpu.memory_space<vmem>> -> memref<32xi32, #tpu.memory_space<vmem>>
    %dma_start3A_150 = arith.constant 0 : i32
    %dma_start3A_151 = arith.constant 0 : i32
    %dma_start3A_152 = tpu.memref_slice %arg2[%dma_start3A_150, %dma_start3A_151] : memref<100000x128xf32, #tpu.memory_space<hbm>> -> memref<100000x128xf32, #tpu.memory_space<hbm>>
    tpu.enqueue_indirect_dma source(%dma_start3A_152 : memref<100000x128xf32, #tpu.memory_space<hbm>>) target(%dma_start3A_147 : memref<32x128xf32, #tpu.memory_space<vmem>>) offsets(%dma_start3A_149 : memref<32xi32, #tpu.memory_space<vmem>>) semaphore(%arg24 : memref<!tpu.dma_semaphore, #tpu.memory_space<semaphore_mem>>)
    %dma_start3A_153 = arith.constant 160 : i32
    %dma_start3A_154 = arith.constant 0 : i32
    %dma_start3A_155 = tpu.memref_slice %arg18[%dma_start3A_153, %dma_start3A_154] : memref<256x128xf32, #tpu.memory_space<vmem>> -> memref<32x128xf32, #tpu.memory_space<vmem>>
    %dma_start3A_156 = arith.constant 32 : i32
    %dma_start3A_157 = tpu.memref_slice %arg16[%dma_start3A_156] : memref<128xi32, #tpu.memory_space<vmem>> -> memref<32xi32, #tpu.memory_space<vmem>>
    %dma_start3A_158 = arith.constant 0 : i32
    %dma_start3A_159 = arith.constant 0 : i32
    %dma_start3A_160 = tpu.memref_slice %arg2[%dma_start3A_158, %dma_start3A_159] : memref<100000x128xf32, #tpu.memory_space<hbm>> -> memref<100000x128xf32, #tpu.memory_space<hbm>>
    tpu.enqueue_indirect_dma source(%dma_start3A_160 : memref<100000x128xf32, #tpu.memory_space<hbm>>) target(%dma_start3A_155 : memref<32x128xf32, #tpu.memory_space<vmem>>) offsets(%dma_start3A_157 : memref<32xi32, #tpu.memory_space<vmem>>) semaphore(%arg24 : memref<!tpu.dma_semaphore, #tpu.memory_space<semaphore_mem>>)
    %dma_start3A_161 = arith.constant 160 : i32
    %dma_start3A_162 = arith.constant 0 : i32
    %dma_start3A_163 = tpu.memref_slice %arg19[%dma_start3A_161, %dma_start3A_162] : memref<256x128xf32, #tpu.memory_space<vmem>> -> memref<32x128xf32, #tpu.memory_space<vmem>>
    %dma_start3A_164 = arith.constant 32 : i32
    %dma_start3A_165 = tpu.memref_slice %arg15[%dma_start3A_164] : memref<128xi32, #tpu.memory_space<vmem>> -> memref<32xi32, #tpu.memory_space<vmem>>
    %dma_start3A_166 = arith.constant 0 : i32
    %dma_start3A_167 = arith.constant 0 : i32
    %dma_start3A_168 = tpu.memref_slice %arg3[%dma_start3A_166, %dma_start3A_167] : memref<1000x128xf32, #tpu.memory_space<hbm>> -> memref<1000x128xf32, #tpu.memory_space<hbm>>
    tpu.enqueue_indirect_dma source(%dma_start3A_168 : memref<1000x128xf32, #tpu.memory_space<hbm>>) target(%dma_start3A_163 : memref<32x128xf32, #tpu.memory_space<vmem>>) offsets(%dma_start3A_165 : memref<32xi32, #tpu.memory_space<vmem>>) semaphore(%arg24 : memref<!tpu.dma_semaphore, #tpu.memory_space<semaphore_mem>>)
    %dma_start3A_169 = arith.constant 64 : i32
    %dma_start3A_170 = arith.constant 0 : i32
    %dma_start3A_171 = tpu.memref_slice %arg17[%dma_start3A_169, %dma_start3A_170] : memref<256x128xf32, #tpu.memory_space<vmem>> -> memref<64x128xf32, #tpu.memory_space<vmem>>
    %dma_start3A_172 = arith.constant 64 : i32
    %dma_start3A_173 = tpu.memref_slice %arg11[%dma_start3A_172] : memref<128xi32, #tpu.memory_space<vmem>> -> memref<64xi32, #tpu.memory_space<vmem>>
    %dma_start3A_174 = arith.constant 0 : i32
    %dma_start3A_175 = arith.constant 0 : i32
    %dma_start3A_176 = tpu.memref_slice %arg2[%dma_start3A_174, %dma_start3A_175] : memref<100000x128xf32, #tpu.memory_space<hbm>> -> memref<100000x128xf32, #tpu.memory_space<hbm>>
    tpu.enqueue_indirect_dma source(%dma_start3A_176 : memref<100000x128xf32, #tpu.memory_space<hbm>>) target(%dma_start3A_171 : memref<64x128xf32, #tpu.memory_space<vmem>>) offsets(%dma_start3A_173 : memref<64xi32, #tpu.memory_space<vmem>>) semaphore(%arg25 : memref<!tpu.dma_semaphore, #tpu.memory_space<semaphore_mem>>)
    %dma_start3A_177 = arith.constant 64 : i32
    %dma_start3A_178 = arith.constant 0 : i32
    %dma_start3A_179 = tpu.memref_slice %arg18[%dma_start3A_177, %dma_start3A_178] : memref<256x128xf32, #tpu.memory_space<vmem>> -> memref<64x128xf32, #tpu.memory_space<vmem>>
    %dma_start3A_180 = arith.constant 64 : i32
    %dma_start3A_181 = tpu.memref_slice %arg13[%dma_start3A_180] : memref<128xi32, #tpu.memory_space<vmem>> -> memref<64xi32, #tpu.memory_space<vmem>>
    %dma_start3A_182 = arith.constant 0 : i32
    %dma_start3A_183 = arith.constant 0 : i32
    %dma_start3A_184 = tpu.memref_slice %arg2[%dma_start3A_182, %dma_start3A_183] : memref<100000x128xf32, #tpu.memory_space<hbm>> -> memref<100000x128xf32, #tpu.memory_space<hbm>>
    tpu.enqueue_indirect_dma source(%dma_start3A_184 : memref<100000x128xf32, #tpu.memory_space<hbm>>) target(%dma_start3A_179 : memref<64x128xf32, #tpu.memory_space<vmem>>) offsets(%dma_start3A_181 : memref<64xi32, #tpu.memory_space<vmem>>) semaphore(%arg25 : memref<!tpu.dma_semaphore, #tpu.memory_space<semaphore_mem>>)
    %dma_start3A_185 = arith.constant 64 : i32
    %dma_start3A_186 = arith.constant 0 : i32
    %dma_start3A_187 = tpu.memref_slice %arg19[%dma_start3A_185, %dma_start3A_186] : memref<256x128xf32, #tpu.memory_space<vmem>> -> memref<64x128xf32, #tpu.memory_space<vmem>>
    %dma_start3A_188 = arith.constant 64 : i32
    %dma_start3A_189 = tpu.memref_slice %arg12[%dma_start3A_188] : memref<128xi32, #tpu.memory_space<vmem>> -> memref<64xi32, #tpu.memory_space<vmem>>
    %dma_start3A_190 = arith.constant 0 : i32
    %dma_start3A_191 = arith.constant 0 : i32
    %dma_start3A_192 = tpu.memref_slice %arg3[%dma_start3A_190, %dma_start3A_191] : memref<1000x128xf32, #tpu.memory_space<hbm>> -> memref<1000x128xf32, #tpu.memory_space<hbm>>
    tpu.enqueue_indirect_dma source(%dma_start3A_192 : memref<1000x128xf32, #tpu.memory_space<hbm>>) target(%dma_start3A_187 : memref<64x128xf32, #tpu.memory_space<vmem>>) offsets(%dma_start3A_189 : memref<64xi32, #tpu.memory_space<vmem>>) semaphore(%arg25 : memref<!tpu.dma_semaphore, #tpu.memory_space<semaphore_mem>>)
    %dma_start3A_193 = arith.constant 192 : i32
    %dma_start3A_194 = arith.constant 0 : i32
    %dma_start3A_195 = tpu.memref_slice %arg17[%dma_start3A_193, %dma_start3A_194] : memref<256x128xf32, #tpu.memory_space<vmem>> -> memref<64x128xf32, #tpu.memory_space<vmem>>
    %dma_start3A_196 = arith.constant 64 : i32
    %dma_start3A_197 = tpu.memref_slice %arg14[%dma_start3A_196] : memref<128xi32, #tpu.memory_space<vmem>> -> memref<64xi32, #tpu.memory_space<vmem>>
    %dma_start3A_198 = arith.constant 0 : i32
    %dma_start3A_199 = arith.constant 0 : i32
    %dma_start3A_200 = tpu.memref_slice %arg2[%dma_start3A_198, %dma_start3A_199] : memref<100000x128xf32, #tpu.memory_space<hbm>> -> memref<100000x128xf32, #tpu.memory_space<hbm>>
    tpu.enqueue_indirect_dma source(%dma_start3A_200 : memref<100000x128xf32, #tpu.memory_space<hbm>>) target(%dma_start3A_195 : memref<64x128xf32, #tpu.memory_space<vmem>>) offsets(%dma_start3A_197 : memref<64xi32, #tpu.memory_space<vmem>>) semaphore(%arg25 : memref<!tpu.dma_semaphore, #tpu.memory_space<semaphore_mem>>)
    %dma_start3A_201 = arith.constant 192 : i32
    %dma_start3A_202 = arith.constant 0 : i32
    %dma_start3A_203 = tpu.memref_slice %arg18[%dma_start3A_201, %dma_start3A_202] : memref<256x128xf32, #tpu.memory_space<vmem>> -> memref<64x128xf32, #tpu.memory_space<vmem>>
    %dma_start3A_204 = arith.constant 64 : i32
    %dma_start3A_205 = tpu.memref_slice %arg16[%dma_start3A_204] : memref<128xi32, #tpu.memory_space<vmem>> -> memref<64xi32, #tpu.memory_space<vmem>>
    %dma_start3A_206 = arith.constant 0 : i32
    %dma_start3A_207 = arith.constant 0 : i32
    %dma_start3A_208 = tpu.memref_slice %arg2[%dma_start3A_206, %dma_start3A_207] : memref<100000x128xf32, #tpu.memory_space<hbm>> -> memref<100000x128xf32, #tpu.memory_space<hbm>>
    tpu.enqueue_indirect_dma source(%dma_start3A_208 : memref<100000x128xf32, #tpu.memory_space<hbm>>) target(%dma_start3A_203 : memref<64x128xf32, #tpu.memory_space<vmem>>) offsets(%dma_start3A_205 : memref<64xi32, #tpu.memory_space<vmem>>) semaphore(%arg25 : memref<!tpu.dma_semaphore, #tpu.memory_space<semaphore_mem>>)
    %dma_start3A_209 = arith.constant 192 : i32
    %dma_start3A_210 = arith.constant 0 : i32
    %dma_start3A_211 = tpu.memref_slice %arg19[%dma_start3A_209, %dma_start3A_210] : memref<256x128xf32, #tpu.memory_space<vmem>> -> memref<64x128xf32, #tpu.memory_space<vmem>>
    %dma_start3A_212 = arith.constant 64 : i32
    %dma_start3A_213 = tpu.memref_slice %arg15[%dma_start3A_212] : memref<128xi32, #tpu.memory_space<vmem>> -> memref<64xi32, #tpu.memory_space<vmem>>
    %dma_start3A_214 = arith.constant 0 : i32
    %dma_start3A_215 = arith.constant 0 : i32
    %dma_start3A_216 = tpu.memref_slice %arg3[%dma_start3A_214, %dma_start3A_215] : memref<1000x128xf32, #tpu.memory_space<hbm>> -> memref<1000x128xf32, #tpu.memory_space<hbm>>
    tpu.enqueue_indirect_dma source(%dma_start3A_216 : memref<1000x128xf32, #tpu.memory_space<hbm>>) target(%dma_start3A_211 : memref<64x128xf32, #tpu.memory_space<vmem>>) offsets(%dma_start3A_213 : memref<64xi32, #tpu.memory_space<vmem>>) semaphore(%arg25 : memref<!tpu.dma_semaphore, #tpu.memory_space<semaphore_mem>>)
    %iota3A = tpu.iota {dimensions = array<i32: 0>} : vector<16xi32>
    %broadcast_in_dim3A = arith.constant 0.000000e+00 : f32
    %broadcast_in_dim3A_217 = vector.broadcast %broadcast_in_dim3A : f32 to vector<16xf32>
    %scan3A = arith.constant 1.000000e-24 : f32
    %scan3A_218 = arith.constant 2.000000e+00 : f32
    %scan3A_219 = arith.constant 9.99999996E-13 : f32
    %scan3A_220 = arith.constant 0 : i32
    %scan3A_221 = arith.constant 8 : i32
    %scan3A_222 = arith.addi %scan3A_220, %scan3A_221 : i32
    %scan3A_223 = arith.constant 1 : i32
    %scan3A_224 = scf.for %scan3A_227 = %scan3A_220 to %scan3A_222 step %scan3A_223 iter_args(%scan3A_228 = %broadcast_in_dim3A_217) -> (vector<16xf32>)  : i32 {
      %eq3A = arith.constant 0 : i32
      %eq3A_229 = arith.cmpi eq, %scan3A_227, %eq3A : i32
      %convert_element_type3A = arith.extui %eq3A_229 : i1 to i32
      %cond3A = arith.constant 0 : i32
      %cond3A_230 = arith.cmpi ne, %convert_element_type3A, %cond3A : i32
      scf.if %cond3A_230 {
        %dma_wait3A_517 = arith.constant 0 : i32
        %dma_wait3A_518 = arith.constant 0 : i32
        %dma_wait3A_519 = tpu.memref_slice %arg17[%dma_wait3A_517, %dma_wait3A_518] : memref<256x128xf32, #tpu.memory_space<vmem>> -> memref<16x128xf32, #tpu.memory_space<vmem>>
        %dma_wait3A_520 = arith.constant 0 : i32
        %dma_wait3A_521 = tpu.memref_slice %arg11[%dma_wait3A_520] : memref<128xi32, #tpu.memory_space<vmem>> -> memref<16xi32, #tpu.memory_space<vmem>>
        %dma_wait3A_522 = arith.constant 0 : i32
        %dma_wait3A_523 = arith.constant 0 : i32
        %dma_wait3A_524 = tpu.memref_slice %arg2[%dma_wait3A_522, %dma_wait3A_523] : memref<100000x128xf32, #tpu.memory_space<hbm>> -> memref<100000x128xf32, #tpu.memory_space<hbm>>
        tpu.wait_indirect_dma semaphore(%arg22 : memref<!tpu.dma_semaphore, #tpu.memory_space<semaphore_mem>>) src(%dma_wait3A_524 : memref<100000x128xf32, #tpu.memory_space<hbm>>) dst(%dma_wait3A_519 : memref<16x128xf32, #tpu.memory_space<vmem>>)
        %dma_wait3A_525 = arith.constant 0 : i32
        %dma_wait3A_526 = arith.constant 0 : i32
        %dma_wait3A_527 = tpu.memref_slice %arg18[%dma_wait3A_525, %dma_wait3A_526] : memref<256x128xf32, #tpu.memory_space<vmem>> -> memref<16x128xf32, #tpu.memory_space<vmem>>
        %dma_wait3A_528 = arith.constant 0 : i32
        %dma_wait3A_529 = tpu.memref_slice %arg13[%dma_wait3A_528] : memref<128xi32, #tpu.memory_space<vmem>> -> memref<16xi32, #tpu.memory_space<vmem>>
        %dma_wait3A_530 = arith.constant 0 : i32
        %dma_wait3A_531 = arith.constant 0 : i32
        %dma_wait3A_532 = tpu.memref_slice %arg2[%dma_wait3A_530, %dma_wait3A_531] : memref<100000x128xf32, #tpu.memory_space<hbm>> -> memref<100000x128xf32, #tpu.memory_space<hbm>>
        tpu.wait_indirect_dma semaphore(%arg22 : memref<!tpu.dma_semaphore, #tpu.memory_space<semaphore_mem>>) src(%dma_wait3A_532 : memref<100000x128xf32, #tpu.memory_space<hbm>>) dst(%dma_wait3A_527 : memref<16x128xf32, #tpu.memory_space<vmem>>)
        %dma_wait3A_533 = arith.constant 0 : i32
        %dma_wait3A_534 = arith.constant 0 : i32
        %dma_wait3A_535 = tpu.memref_slice %arg19[%dma_wait3A_533, %dma_wait3A_534] : memref<256x128xf32, #tpu.memory_space<vmem>> -> memref<16x128xf32, #tpu.memory_space<vmem>>
        %dma_wait3A_536 = arith.constant 0 : i32
        %dma_wait3A_537 = tpu.memref_slice %arg12[%dma_wait3A_536] : memref<128xi32, #tpu.memory_space<vmem>> -> memref<16xi32, #tpu.memory_space<vmem>>
        %dma_wait3A_538 = arith.constant 0 : i32
        %dma_wait3A_539 = arith.constant 0 : i32
        %dma_wait3A_540 = tpu.memref_slice %arg3[%dma_wait3A_538, %dma_wait3A_539] : memref<1000x128xf32, #tpu.memory_space<hbm>> -> memref<1000x128xf32, #tpu.memory_space<hbm>>
        tpu.wait_indirect_dma semaphore(%arg22 : memref<!tpu.dma_semaphore, #tpu.memory_space<semaphore_mem>>) src(%dma_wait3A_540 : memref<1000x128xf32, #tpu.memory_space<hbm>>) dst(%dma_wait3A_535 : memref<16x128xf32, #tpu.memory_space<vmem>>)
        %dma_wait3A_541 = arith.constant 128 : i32
        %dma_wait3A_542 = arith.constant 0 : i32
        %dma_wait3A_543 = tpu.memref_slice %arg17[%dma_wait3A_541, %dma_wait3A_542] : memref<256x128xf32, #tpu.memory_space<vmem>> -> memref<16x128xf32, #tpu.memory_space<vmem>>
        %dma_wait3A_544 = arith.constant 0 : i32
        %dma_wait3A_545 = tpu.memref_slice %arg14[%dma_wait3A_544] : memref<128xi32, #tpu.memory_space<vmem>> -> memref<16xi32, #tpu.memory_space<vmem>>
        %dma_wait3A_546 = arith.constant 0 : i32
        %dma_wait3A_547 = arith.constant 0 : i32
        %dma_wait3A_548 = tpu.memref_slice %arg2[%dma_wait3A_546, %dma_wait3A_547] : memref<100000x128xf32, #tpu.memory_space<hbm>> -> memref<100000x128xf32, #tpu.memory_space<hbm>>
        tpu.wait_indirect_dma semaphore(%arg22 : memref<!tpu.dma_semaphore, #tpu.memory_space<semaphore_mem>>) src(%dma_wait3A_548 : memref<100000x128xf32, #tpu.memory_space<hbm>>) dst(%dma_wait3A_543 : memref<16x128xf32, #tpu.memory_space<vmem>>)
        %dma_wait3A_549 = arith.constant 128 : i32
        %dma_wait3A_550 = arith.constant 0 : i32
        %dma_wait3A_551 = tpu.memref_slice %arg18[%dma_wait3A_549, %dma_wait3A_550] : memref<256x128xf32, #tpu.memory_space<vmem>> -> memref<16x128xf32, #tpu.memory_space<vmem>>
        %dma_wait3A_552 = arith.constant 0 : i32
        %dma_wait3A_553 = tpu.memref_slice %arg16[%dma_wait3A_552] : memref<128xi32, #tpu.memory_space<vmem>> -> memref<16xi32, #tpu.memory_space<vmem>>
        %dma_wait3A_554 = arith.constant 0 : i32
        %dma_wait3A_555 = arith.constant 0 : i32
        %dma_wait3A_556 = tpu.memref_slice %arg2[%dma_wait3A_554, %dma_wait3A_555] : memref<100000x128xf32, #tpu.memory_space<hbm>> -> memref<100000x128xf32, #tpu.memory_space<hbm>>
        tpu.wait_indirect_dma semaphore(%arg22 : memref<!tpu.dma_semaphore, #tpu.memory_space<semaphore_mem>>) src(%dma_wait3A_556 : memref<100000x128xf32, #tpu.memory_space<hbm>>) dst(%dma_wait3A_551 : memref<16x128xf32, #tpu.memory_space<vmem>>)
        %dma_wait3A_557 = arith.constant 128 : i32
        %dma_wait3A_558 = arith.constant 0 : i32
        %dma_wait3A_559 = tpu.memref_slice %arg19[%dma_wait3A_557, %dma_wait3A_558] : memref<256x128xf32, #tpu.memory_space<vmem>> -> memref<16x128xf32, #tpu.memory_space<vmem>>
        %dma_wait3A_560 = arith.constant 0 : i32
        %dma_wait3A_561 = tpu.memref_slice %arg15[%dma_wait3A_560] : memref<128xi32, #tpu.memory_space<vmem>> -> memref<16xi32, #tpu.memory_space<vmem>>
        %dma_wait3A_562 = arith.constant 0 : i32
        %dma_wait3A_563 = arith.constant 0 : i32
        %dma_wait3A_564 = tpu.memref_slice %arg3[%dma_wait3A_562, %dma_wait3A_563] : memref<1000x128xf32, #tpu.memory_space<hbm>> -> memref<1000x128xf32, #tpu.memory_space<hbm>>
        tpu.wait_indirect_dma semaphore(%arg22 : memref<!tpu.dma_semaphore, #tpu.memory_space<semaphore_mem>>) src(%dma_wait3A_564 : memref<1000x128xf32, #tpu.memory_space<hbm>>) dst(%dma_wait3A_559 : memref<16x128xf32, #tpu.memory_space<vmem>>)
      } else {
      }
      %eq3A_231 = arith.constant 1 : i32
      %eq3A_232 = arith.cmpi eq, %scan3A_227, %eq3A_231 : i32
      %convert_element_type3A_233 = arith.extui %eq3A_232 : i1 to i32
      %cond3A_234 = arith.constant 0 : i32
      %cond3A_235 = arith.cmpi ne, %convert_element_type3A_233, %cond3A_234 : i32
      scf.if %cond3A_235 {
        %dma_wait3A_517 = arith.constant 16 : i32
        %dma_wait3A_518 = arith.constant 0 : i32
        %dma_wait3A_519 = tpu.memref_slice %arg17[%dma_wait3A_517, %dma_wait3A_518] : memref<256x128xf32, #tpu.memory_space<vmem>> -> memref<16x128xf32, #tpu.memory_space<vmem>>
        %dma_wait3A_520 = arith.constant 16 : i32
        %dma_wait3A_521 = tpu.memref_slice %arg11[%dma_wait3A_520] : memref<128xi32, #tpu.memory_space<vmem>> -> memref<16xi32, #tpu.memory_space<vmem>>
        %dma_wait3A_522 = arith.constant 0 : i32
        %dma_wait3A_523 = arith.constant 0 : i32
        %dma_wait3A_524 = tpu.memref_slice %arg2[%dma_wait3A_522, %dma_wait3A_523] : memref<100000x128xf32, #tpu.memory_space<hbm>> -> memref<100000x128xf32, #tpu.memory_space<hbm>>
        tpu.wait_indirect_dma semaphore(%arg23 : memref<!tpu.dma_semaphore, #tpu.memory_space<semaphore_mem>>) src(%dma_wait3A_524 : memref<100000x128xf32, #tpu.memory_space<hbm>>) dst(%dma_wait3A_519 : memref<16x128xf32, #tpu.memory_space<vmem>>)
        %dma_wait3A_525 = arith.constant 16 : i32
        %dma_wait3A_526 = arith.constant 0 : i32
        %dma_wait3A_527 = tpu.memref_slice %arg18[%dma_wait3A_525, %dma_wait3A_526] : memref<256x128xf32, #tpu.memory_space<vmem>> -> memref<16x128xf32, #tpu.memory_space<vmem>>
        %dma_wait3A_528 = arith.constant 16 : i32
        %dma_wait3A_529 = tpu.memref_slice %arg13[%dma_wait3A_528] : memref<128xi32, #tpu.memory_space<vmem>> -> memref<16xi32, #tpu.memory_space<vmem>>
        %dma_wait3A_530 = arith.constant 0 : i32
        %dma_wait3A_531 = arith.constant 0 : i32
        %dma_wait3A_532 = tpu.memref_slice %arg2[%dma_wait3A_530, %dma_wait3A_531] : memref<100000x128xf32, #tpu.memory_space<hbm>> -> memref<100000x128xf32, #tpu.memory_space<hbm>>
        tpu.wait_indirect_dma semaphore(%arg23 : memref<!tpu.dma_semaphore, #tpu.memory_space<semaphore_mem>>) src(%dma_wait3A_532 : memref<100000x128xf32, #tpu.memory_space<hbm>>) dst(%dma_wait3A_527 : memref<16x128xf32, #tpu.memory_space<vmem>>)
        %dma_wait3A_533 = arith.constant 16 : i32
        %dma_wait3A_534 = arith.constant 0 : i32
        %dma_wait3A_535 = tpu.memref_slice %arg19[%dma_wait3A_533, %dma_wait3A_534] : memref<256x128xf32, #tpu.memory_space<vmem>> -> memref<16x128xf32, #tpu.memory_space<vmem>>
        %dma_wait3A_536 = arith.constant 16 : i32
        %dma_wait3A_537 = tpu.memref_slice %arg12[%dma_wait3A_536] : memref<128xi32, #tpu.memory_space<vmem>> -> memref<16xi32, #tpu.memory_space<vmem>>
        %dma_wait3A_538 = arith.constant 0 : i32
        %dma_wait3A_539 = arith.constant 0 : i32
        %dma_wait3A_540 = tpu.memref_slice %arg3[%dma_wait3A_538, %dma_wait3A_539] : memref<1000x128xf32, #tpu.memory_space<hbm>> -> memref<1000x128xf32, #tpu.memory_space<hbm>>
        tpu.wait_indirect_dma semaphore(%arg23 : memref<!tpu.dma_semaphore, #tpu.memory_space<semaphore_mem>>) src(%dma_wait3A_540 : memref<1000x128xf32, #tpu.memory_space<hbm>>) dst(%dma_wait3A_535 : memref<16x128xf32, #tpu.memory_space<vmem>>)
        %dma_wait3A_541 = arith.constant 144 : i32
        %dma_wait3A_542 = arith.constant 0 : i32
        %dma_wait3A_543 = tpu.memref_slice %arg17[%dma_wait3A_541, %dma_wait3A_542] : memref<256x128xf32, #tpu.memory_space<vmem>> -> memref<16x128xf32, #tpu.memory_space<vmem>>
        %dma_wait3A_544 = arith.constant 16 : i32
        %dma_wait3A_545 = tpu.memref_slice %arg14[%dma_wait3A_544] : memref<128xi32, #tpu.memory_space<vmem>> -> memref<16xi32, #tpu.memory_space<vmem>>
        %dma_wait3A_546 = arith.constant 0 : i32
        %dma_wait3A_547 = arith.constant 0 : i32
        %dma_wait3A_548 = tpu.memref_slice %arg2[%dma_wait3A_546, %dma_wait3A_547] : memref<100000x128xf32, #tpu.memory_space<hbm>> -> memref<100000x128xf32, #tpu.memory_space<hbm>>
        tpu.wait_indirect_dma semaphore(%arg23 : memref<!tpu.dma_semaphore, #tpu.memory_space<semaphore_mem>>) src(%dma_wait3A_548 : memref<100000x128xf32, #tpu.memory_space<hbm>>) dst(%dma_wait3A_543 : memref<16x128xf32, #tpu.memory_space<vmem>>)
        %dma_wait3A_549 = arith.constant 144 : i32
        %dma_wait3A_550 = arith.constant 0 : i32
        %dma_wait3A_551 = tpu.memref_slice %arg18[%dma_wait3A_549, %dma_wait3A_550] : memref<256x128xf32, #tpu.memory_space<vmem>> -> memref<16x128xf32, #tpu.memory_space<vmem>>
        %dma_wait3A_552 = arith.constant 16 : i32
        %dma_wait3A_553 = tpu.memref_slice %arg16[%dma_wait3A_552] : memref<128xi32, #tpu.memory_space<vmem>> -> memref<16xi32, #tpu.memory_space<vmem>>
        %dma_wait3A_554 = arith.constant 0 : i32
        %dma_wait3A_555 = arith.constant 0 : i32
        %dma_wait3A_556 = tpu.memref_slice %arg2[%dma_wait3A_554, %dma_wait3A_555] : memref<100000x128xf32, #tpu.memory_space<hbm>> -> memref<100000x128xf32, #tpu.memory_space<hbm>>
        tpu.wait_indirect_dma semaphore(%arg23 : memref<!tpu.dma_semaphore, #tpu.memory_space<semaphore_mem>>) src(%dma_wait3A_556 : memref<100000x128xf32, #tpu.memory_space<hbm>>) dst(%dma_wait3A_551 : memref<16x128xf32, #tpu.memory_space<vmem>>)
        %dma_wait3A_557 = arith.constant 144 : i32
        %dma_wait3A_558 = arith.constant 0 : i32
        %dma_wait3A_559 = tpu.memref_slice %arg19[%dma_wait3A_557, %dma_wait3A_558] : memref<256x128xf32, #tpu.memory_space<vmem>> -> memref<16x128xf32, #tpu.memory_space<vmem>>
        %dma_wait3A_560 = arith.constant 16 : i32
        %dma_wait3A_561 = tpu.memref_slice %arg15[%dma_wait3A_560] : memref<128xi32, #tpu.memory_space<vmem>> -> memref<16xi32, #tpu.memory_space<vmem>>
        %dma_wait3A_562 = arith.constant 0 : i32
        %dma_wait3A_563 = arith.constant 0 : i32
        %dma_wait3A_564 = tpu.memref_slice %arg3[%dma_wait3A_562, %dma_wait3A_563] : memref<1000x128xf32, #tpu.memory_space<hbm>> -> memref<1000x128xf32, #tpu.memory_space<hbm>>
        tpu.wait_indirect_dma semaphore(%arg23 : memref<!tpu.dma_semaphore, #tpu.memory_space<semaphore_mem>>) src(%dma_wait3A_564 : memref<1000x128xf32, #tpu.memory_space<hbm>>) dst(%dma_wait3A_559 : memref<16x128xf32, #tpu.memory_space<vmem>>)
      } else {
      }
      %eq3A_236 = arith.constant 2 : i32
      %eq3A_237 = arith.cmpi eq, %scan3A_227, %eq3A_236 : i32
      %convert_element_type3A_238 = arith.extui %eq3A_237 : i1 to i32
      %cond3A_239 = arith.constant 0 : i32
      %cond3A_240 = arith.cmpi ne, %convert_element_type3A_238, %cond3A_239 : i32
      scf.if %cond3A_240 {
        %dma_wait3A_517 = arith.constant 32 : i32
        %dma_wait3A_518 = arith.constant 0 : i32
        %dma_wait3A_519 = tpu.memref_slice %arg17[%dma_wait3A_517, %dma_wait3A_518] : memref<256x128xf32, #tpu.memory_space<vmem>> -> memref<32x128xf32, #tpu.memory_space<vmem>>
        %dma_wait3A_520 = arith.constant 32 : i32
        %dma_wait3A_521 = tpu.memref_slice %arg11[%dma_wait3A_520] : memref<128xi32, #tpu.memory_space<vmem>> -> memref<32xi32, #tpu.memory_space<vmem>>
        %dma_wait3A_522 = arith.constant 0 : i32
        %dma_wait3A_523 = arith.constant 0 : i32
        %dma_wait3A_524 = tpu.memref_slice %arg2[%dma_wait3A_522, %dma_wait3A_523] : memref<100000x128xf32, #tpu.memory_space<hbm>> -> memref<100000x128xf32, #tpu.memory_space<hbm>>
        tpu.wait_indirect_dma semaphore(%arg24 : memref<!tpu.dma_semaphore, #tpu.memory_space<semaphore_mem>>) src(%dma_wait3A_524 : memref<100000x128xf32, #tpu.memory_space<hbm>>) dst(%dma_wait3A_519 : memref<32x128xf32, #tpu.memory_space<vmem>>)
        %dma_wait3A_525 = arith.constant 32 : i32
        %dma_wait3A_526 = arith.constant 0 : i32
        %dma_wait3A_527 = tpu.memref_slice %arg18[%dma_wait3A_525, %dma_wait3A_526] : memref<256x128xf32, #tpu.memory_space<vmem>> -> memref<32x128xf32, #tpu.memory_space<vmem>>
        %dma_wait3A_528 = arith.constant 32 : i32
        %dma_wait3A_529 = tpu.memref_slice %arg13[%dma_wait3A_528] : memref<128xi32, #tpu.memory_space<vmem>> -> memref<32xi32, #tpu.memory_space<vmem>>
        %dma_wait3A_530 = arith.constant 0 : i32
        %dma_wait3A_531 = arith.constant 0 : i32
        %dma_wait3A_532 = tpu.memref_slice %arg2[%dma_wait3A_530, %dma_wait3A_531] : memref<100000x128xf32, #tpu.memory_space<hbm>> -> memref<100000x128xf32, #tpu.memory_space<hbm>>
        tpu.wait_indirect_dma semaphore(%arg24 : memref<!tpu.dma_semaphore, #tpu.memory_space<semaphore_mem>>) src(%dma_wait3A_532 : memref<100000x128xf32, #tpu.memory_space<hbm>>) dst(%dma_wait3A_527 : memref<32x128xf32, #tpu.memory_space<vmem>>)
        %dma_wait3A_533 = arith.constant 32 : i32
        %dma_wait3A_534 = arith.constant 0 : i32
        %dma_wait3A_535 = tpu.memref_slice %arg19[%dma_wait3A_533, %dma_wait3A_534] : memref<256x128xf32, #tpu.memory_space<vmem>> -> memref<32x128xf32, #tpu.memory_space<vmem>>
        %dma_wait3A_536 = arith.constant 32 : i32
        %dma_wait3A_537 = tpu.memref_slice %arg12[%dma_wait3A_536] : memref<128xi32, #tpu.memory_space<vmem>> -> memref<32xi32, #tpu.memory_space<vmem>>
        %dma_wait3A_538 = arith.constant 0 : i32
        %dma_wait3A_539 = arith.constant 0 : i32
        %dma_wait3A_540 = tpu.memref_slice %arg3[%dma_wait3A_538, %dma_wait3A_539] : memref<1000x128xf32, #tpu.memory_space<hbm>> -> memref<1000x128xf32, #tpu.memory_space<hbm>>
        tpu.wait_indirect_dma semaphore(%arg24 : memref<!tpu.dma_semaphore, #tpu.memory_space<semaphore_mem>>) src(%dma_wait3A_540 : memref<1000x128xf32, #tpu.memory_space<hbm>>) dst(%dma_wait3A_535 : memref<32x128xf32, #tpu.memory_space<vmem>>)
        %dma_wait3A_541 = arith.constant 160 : i32
        %dma_wait3A_542 = arith.constant 0 : i32
        %dma_wait3A_543 = tpu.memref_slice %arg17[%dma_wait3A_541, %dma_wait3A_542] : memref<256x128xf32, #tpu.memory_space<vmem>> -> memref<32x128xf32, #tpu.memory_space<vmem>>
        %dma_wait3A_544 = arith.constant 32 : i32
        %dma_wait3A_545 = tpu.memref_slice %arg14[%dma_wait3A_544] : memref<128xi32, #tpu.memory_space<vmem>> -> memref<32xi32, #tpu.memory_space<vmem>>
        %dma_wait3A_546 = arith.constant 0 : i32
        %dma_wait3A_547 = arith.constant 0 : i32
        %dma_wait3A_548 = tpu.memref_slice %arg2[%dma_wait3A_546, %dma_wait3A_547] : memref<100000x128xf32, #tpu.memory_space<hbm>> -> memref<100000x128xf32, #tpu.memory_space<hbm>>
        tpu.wait_indirect_dma semaphore(%arg24 : memref<!tpu.dma_semaphore, #tpu.memory_space<semaphore_mem>>) src(%dma_wait3A_548 : memref<100000x128xf32, #tpu.memory_space<hbm>>) dst(%dma_wait3A_543 : memref<32x128xf32, #tpu.memory_space<vmem>>)
        %dma_wait3A_549 = arith.constant 160 : i32
        %dma_wait3A_550 = arith.constant 0 : i32
        %dma_wait3A_551 = tpu.memref_slice %arg18[%dma_wait3A_549, %dma_wait3A_550] : memref<256x128xf32, #tpu.memory_space<vmem>> -> memref<32x128xf32, #tpu.memory_space<vmem>>
        %dma_wait3A_552 = arith.constant 32 : i32
        %dma_wait3A_553 = tpu.memref_slice %arg16[%dma_wait3A_552] : memref<128xi32, #tpu.memory_space<vmem>> -> memref<32xi32, #tpu.memory_space<vmem>>
        %dma_wait3A_554 = arith.constant 0 : i32
        %dma_wait3A_555 = arith.constant 0 : i32
        %dma_wait3A_556 = tpu.memref_slice %arg2[%dma_wait3A_554, %dma_wait3A_555] : memref<100000x128xf32, #tpu.memory_space<hbm>> -> memref<100000x128xf32, #tpu.memory_space<hbm>>
        tpu.wait_indirect_dma semaphore(%arg24 : memref<!tpu.dma_semaphore, #tpu.memory_space<semaphore_mem>>) src(%dma_wait3A_556 : memref<100000x128xf32, #tpu.memory_space<hbm>>) dst(%dma_wait3A_551 : memref<32x128xf32, #tpu.memory_space<vmem>>)
        %dma_wait3A_557 = arith.constant 160 : i32
        %dma_wait3A_558 = arith.constant 0 : i32
        %dma_wait3A_559 = tpu.memref_slice %arg19[%dma_wait3A_557, %dma_wait3A_558] : memref<256x128xf32, #tpu.memory_space<vmem>> -> memref<32x128xf32, #tpu.memory_space<vmem>>
        %dma_wait3A_560 = arith.constant 32 : i32
        %dma_wait3A_561 = tpu.memref_slice %arg15[%dma_wait3A_560] : memref<128xi32, #tpu.memory_space<vmem>> -> memref<32xi32, #tpu.memory_space<vmem>>
        %dma_wait3A_562 = arith.constant 0 : i32
        %dma_wait3A_563 = arith.constant 0 : i32
        %dma_wait3A_564 = tpu.memref_slice %arg3[%dma_wait3A_562, %dma_wait3A_563] : memref<1000x128xf32, #tpu.memory_space<hbm>> -> memref<1000x128xf32, #tpu.memory_space<hbm>>
        tpu.wait_indirect_dma semaphore(%arg24 : memref<!tpu.dma_semaphore, #tpu.memory_space<semaphore_mem>>) src(%dma_wait3A_564 : memref<1000x128xf32, #tpu.memory_space<hbm>>) dst(%dma_wait3A_559 : memref<32x128xf32, #tpu.memory_space<vmem>>)
      } else {
      }
      %eq3A_241 = arith.constant 4 : i32
      %eq3A_242 = arith.cmpi eq, %scan3A_227, %eq3A_241 : i32
      %convert_element_type3A_243 = arith.extui %eq3A_242 : i1 to i32
      %cond3A_244 = arith.constant 0 : i32
      %cond3A_245 = arith.cmpi ne, %convert_element_type3A_243, %cond3A_244 : i32
      scf.if %cond3A_245 {
        %dma_wait3A_517 = arith.constant 64 : i32
        %dma_wait3A_518 = arith.constant 0 : i32
        %dma_wait3A_519 = tpu.memref_slice %arg17[%dma_wait3A_517, %dma_wait3A_518] : memref<256x128xf32, #tpu.memory_space<vmem>> -> memref<64x128xf32, #tpu.memory_space<vmem>>
        %dma_wait3A_520 = arith.constant 64 : i32
        %dma_wait3A_521 = tpu.memref_slice %arg11[%dma_wait3A_520] : memref<128xi32, #tpu.memory_space<vmem>> -> memref<64xi32, #tpu.memory_space<vmem>>
        %dma_wait3A_522 = arith.constant 0 : i32
        %dma_wait3A_523 = arith.constant 0 : i32
        %dma_wait3A_524 = tpu.memref_slice %arg2[%dma_wait3A_522, %dma_wait3A_523] : memref<100000x128xf32, #tpu.memory_space<hbm>> -> memref<100000x128xf32, #tpu.memory_space<hbm>>
        tpu.wait_indirect_dma semaphore(%arg25 : memref<!tpu.dma_semaphore, #tpu.memory_space<semaphore_mem>>) src(%dma_wait3A_524 : memref<100000x128xf32, #tpu.memory_space<hbm>>) dst(%dma_wait3A_519 : memref<64x128xf32, #tpu.memory_space<vmem>>)
        %dma_wait3A_525 = arith.constant 64 : i32
        %dma_wait3A_526 = arith.constant 0 : i32
        %dma_wait3A_527 = tpu.memref_slice %arg18[%dma_wait3A_525, %dma_wait3A_526] : memref<256x128xf32, #tpu.memory_space<vmem>> -> memref<64x128xf32, #tpu.memory_space<vmem>>
        %dma_wait3A_528 = arith.constant 64 : i32
        %dma_wait3A_529 = tpu.memref_slice %arg13[%dma_wait3A_528] : memref<128xi32, #tpu.memory_space<vmem>> -> memref<64xi32, #tpu.memory_space<vmem>>
        %dma_wait3A_530 = arith.constant 0 : i32
        %dma_wait3A_531 = arith.constant 0 : i32
        %dma_wait3A_532 = tpu.memref_slice %arg2[%dma_wait3A_530, %dma_wait3A_531] : memref<100000x128xf32, #tpu.memory_space<hbm>> -> memref<100000x128xf32, #tpu.memory_space<hbm>>
        tpu.wait_indirect_dma semaphore(%arg25 : memref<!tpu.dma_semaphore, #tpu.memory_space<semaphore_mem>>) src(%dma_wait3A_532 : memref<100000x128xf32, #tpu.memory_space<hbm>>) dst(%dma_wait3A_527 : memref<64x128xf32, #tpu.memory_space<vmem>>)
        %dma_wait3A_533 = arith.constant 64 : i32
        %dma_wait3A_534 = arith.constant 0 : i32
        %dma_wait3A_535 = tpu.memref_slice %arg19[%dma_wait3A_533, %dma_wait3A_534] : memref<256x128xf32, #tpu.memory_space<vmem>> -> memref<64x128xf32, #tpu.memory_space<vmem>>
        %dma_wait3A_536 = arith.constant 64 : i32
        %dma_wait3A_537 = tpu.memref_slice %arg12[%dma_wait3A_536] : memref<128xi32, #tpu.memory_space<vmem>> -> memref<64xi32, #tpu.memory_space<vmem>>
        %dma_wait3A_538 = arith.constant 0 : i32
        %dma_wait3A_539 = arith.constant 0 : i32
        %dma_wait3A_540 = tpu.memref_slice %arg3[%dma_wait3A_538, %dma_wait3A_539] : memref<1000x128xf32, #tpu.memory_space<hbm>> -> memref<1000x128xf32, #tpu.memory_space<hbm>>
        tpu.wait_indirect_dma semaphore(%arg25 : memref<!tpu.dma_semaphore, #tpu.memory_space<semaphore_mem>>) src(%dma_wait3A_540 : memref<1000x128xf32, #tpu.memory_space<hbm>>) dst(%dma_wait3A_535 : memref<64x128xf32, #tpu.memory_space<vmem>>)
        %dma_wait3A_541 = arith.constant 192 : i32
        %dma_wait3A_542 = arith.constant 0 : i32
        %dma_wait3A_543 = tpu.memref_slice %arg17[%dma_wait3A_541, %dma_wait3A_542] : memref<256x128xf32, #tpu.memory_space<vmem>> -> memref<64x128xf32, #tpu.memory_space<vmem>>
        %dma_wait3A_544 = arith.constant 64 : i32
        %dma_wait3A_545 = tpu.memref_slice %arg14[%dma_wait3A_544] : memref<128xi32, #tpu.memory_space<vmem>> -> memref<64xi32, #tpu.memory_space<vmem>>
        %dma_wait3A_546 = arith.constant 0 : i32
        %dma_wait3A_547 = arith.constant 0 : i32
        %dma_wait3A_548 = tpu.memref_slice %arg2[%dma_wait3A_546, %dma_wait3A_547] : memref<100000x128xf32, #tpu.memory_space<hbm>> -> memref<100000x128xf32, #tpu.memory_space<hbm>>
        tpu.wait_indirect_dma semaphore(%arg25 : memref<!tpu.dma_semaphore, #tpu.memory_space<semaphore_mem>>) src(%dma_wait3A_548 : memref<100000x128xf32, #tpu.memory_space<hbm>>) dst(%dma_wait3A_543 : memref<64x128xf32, #tpu.memory_space<vmem>>)
        %dma_wait3A_549 = arith.constant 192 : i32
        %dma_wait3A_550 = arith.constant 0 : i32
        %dma_wait3A_551 = tpu.memref_slice %arg18[%dma_wait3A_549, %dma_wait3A_550] : memref<256x128xf32, #tpu.memory_space<vmem>> -> memref<64x128xf32, #tpu.memory_space<vmem>>
        %dma_wait3A_552 = arith.constant 64 : i32
        %dma_wait3A_553 = tpu.memref_slice %arg16[%dma_wait3A_552] : memref<128xi32, #tpu.memory_space<vmem>> -> memref<64xi32, #tpu.memory_space<vmem>>
        %dma_wait3A_554 = arith.constant 0 : i32
        %dma_wait3A_555 = arith.constant 0 : i32
        %dma_wait3A_556 = tpu.memref_slice %arg2[%dma_wait3A_554, %dma_wait3A_555] : memref<100000x128xf32, #tpu.memory_space<hbm>> -> memref<100000x128xf32, #tpu.memory_space<hbm>>
        tpu.wait_indirect_dma semaphore(%arg25 : memref<!tpu.dma_semaphore, #tpu.memory_space<semaphore_mem>>) src(%dma_wait3A_556 : memref<100000x128xf32, #tpu.memory_space<hbm>>) dst(%dma_wait3A_551 : memref<64x128xf32, #tpu.memory_space<vmem>>)
        %dma_wait3A_557 = arith.constant 192 : i32
        %dma_wait3A_558 = arith.constant 0 : i32
        %dma_wait3A_559 = tpu.memref_slice %arg19[%dma_wait3A_557, %dma_wait3A_558] : memref<256x128xf32, #tpu.memory_space<vmem>> -> memref<64x128xf32, #tpu.memory_space<vmem>>
        %dma_wait3A_560 = arith.constant 64 : i32
        %dma_wait3A_561 = tpu.memref_slice %arg15[%dma_wait3A_560] : memref<128xi32, #tpu.memory_space<vmem>> -> memref<64xi32, #tpu.memory_space<vmem>>
        %dma_wait3A_562 = arith.constant 0 : i32
        %dma_wait3A_563 = arith.constant 0 : i32
        %dma_wait3A_564 = tpu.memref_slice %arg3[%dma_wait3A_562, %dma_wait3A_563] : memref<1000x128xf32, #tpu.memory_space<hbm>> -> memref<1000x128xf32, #tpu.memory_space<hbm>>
        tpu.wait_indirect_dma semaphore(%arg25 : memref<!tpu.dma_semaphore, #tpu.memory_space<semaphore_mem>>) src(%dma_wait3A_564 : memref<1000x128xf32, #tpu.memory_space<hbm>>) dst(%dma_wait3A_559 : memref<64x128xf32, #tpu.memory_space<vmem>>)
      } else {
      }
      %mul3A_246 = arith.constant 16 : i32
      %mul3A_247 = arith.muli %scan3A_227, %mul3A_246 : i32
      %add3A_248 = vector.broadcast %mul3A_247 : i32 to vector<16xi32>
      %add3A_249 = arith.addi %iota3A, %add3A_248 : vector<16xi32>
      %add3A_250 = arith.constant 128 : i32
      %add3A_251 = vector.broadcast %add3A_250 : i32 to vector<16xi32>
      %add3A_252 = arith.addi %add3A_249, %add3A_251 : vector<16xi32>
      %scan3A_253 = arith.constant 0 : i32
      %scan3A_254 = arith.constant 128 : i32
      %scan3A_255 = arith.addi %scan3A_253, %scan3A_254 : i32
      %scan3A_256 = arith.constant 16 : i32
      %scan3A_257:12 = scf.for %scan3A_517 = %scan3A_253 to %scan3A_255 step %scan3A_256 iter_args(%scan3A_518 = %broadcast_in_dim3A_217, %scan3A_519 = %broadcast_in_dim3A_217, %scan3A_520 = %broadcast_in_dim3A_217, %scan3A_521 = %broadcast_in_dim3A_217, %scan3A_522 = %broadcast_in_dim3A_217, %scan3A_523 = %broadcast_in_dim3A_217, %scan3A_524 = %broadcast_in_dim3A_217, %scan3A_525 = %broadcast_in_dim3A_217, %scan3A_526 = %broadcast_in_dim3A_217, %scan3A_527 = %broadcast_in_dim3A_217, %scan3A_528 = %broadcast_in_dim3A_217, %scan3A_529 = %broadcast_in_dim3A_217) -> (vector<16xf32>, vector<16xf32>, vector<16xf32>, vector<16xf32>, vector<16xf32>, vector<16xf32>, vector<16xf32>, vector<16xf32>, vector<16xf32>, vector<16xf32>, vector<16xf32>, vector<16xf32>)  : i32 {
        %broadcast_in_dim3A_530 = vector.broadcast %scan3A_517 : i32 to vector<16xi32>
        %add3A_531 = arith.addi %broadcast_in_dim3A_530, %iota3A : vector<16xi32>
        %and3A = arith.constant 127 : i32
        %and3A_532 = vector.broadcast %and3A : i32 to vector<16xi32>
        %and3A_533 = arith.andi %add3A_531, %and3A_532 : vector<16xi32>
        %gather3A = tpu.vector_load_idx %arg17[%add3A_249, %and3A_533] : memref<256x128xf32, #tpu.memory_space<vmem>>[vector<16xi32>, vector<16xi32>], vector<16xf32>,
        %gather3A_534 = tpu.vector_load_idx %arg19[%add3A_249, %and3A_533] : memref<256x128xf32, #tpu.memory_space<vmem>>[vector<16xi32>, vector<16xi32>], vector<16xf32>,
        %gather3A_535 = tpu.vector_load_idx %arg18[%add3A_249, %and3A_533] : memref<256x128xf32, #tpu.memory_space<vmem>>[vector<16xi32>, vector<16xi32>], vector<16xf32>,
        %mul3A_536 = arith.mulf %gather3A, %gather3A : vector<16xf32>
        %add3A_537 = arith.addf %scan3A_518, %mul3A_536 : vector<16xf32>
        %mul3A_538 = arith.mulf %gather3A_534, %gather3A_534 : vector<16xf32>
        %add3A_539 = arith.addf %scan3A_519, %mul3A_538 : vector<16xf32>
        %mul3A_540 = arith.mulf %gather3A_535, %gather3A_535 : vector<16xf32>
        %add3A_541 = arith.addf %scan3A_520, %mul3A_540 : vector<16xf32>
        %mul3A_542 = arith.mulf %gather3A, %gather3A_534 : vector<16xf32>
        %add3A_543 = arith.addf %scan3A_521, %mul3A_542 : vector<16xf32>
        %mul3A_544 = arith.mulf %gather3A, %gather3A_535 : vector<16xf32>
        %add3A_545 = arith.addf %scan3A_522, %mul3A_544 : vector<16xf32>
        %mul3A_546 = arith.mulf %gather3A_534, %gather3A_535 : vector<16xf32>
        %add3A_547 = arith.addf %scan3A_523, %mul3A_546 : vector<16xf32>
        %gather3A_548 = tpu.vector_load_idx %arg17[%add3A_252, %and3A_533] : memref<256x128xf32, #tpu.memory_space<vmem>>[vector<16xi32>, vector<16xi32>], vector<16xf32>,
        %gather3A_549 = tpu.vector_load_idx %arg19[%add3A_252, %and3A_533] : memref<256x128xf32, #tpu.memory_space<vmem>>[vector<16xi32>, vector<16xi32>], vector<16xf32>,
        %gather3A_550 = tpu.vector_load_idx %arg18[%add3A_252, %and3A_533] : memref<256x128xf32, #tpu.memory_space<vmem>>[vector<16xi32>, vector<16xi32>], vector<16xf32>,
        %mul3A_551 = arith.mulf %gather3A_548, %gather3A_548 : vector<16xf32>
        %add3A_552 = arith.addf %scan3A_524, %mul3A_551 : vector<16xf32>
        %mul3A_553 = arith.mulf %gather3A_549, %gather3A_549 : vector<16xf32>
        %add3A_554 = arith.addf %scan3A_525, %mul3A_553 : vector<16xf32>
        %mul3A_555 = arith.mulf %gather3A_550, %gather3A_550 : vector<16xf32>
        %add3A_556 = arith.addf %scan3A_526, %mul3A_555 : vector<16xf32>
        %mul3A_557 = arith.mulf %gather3A_548, %gather3A_549 : vector<16xf32>
        %add3A_558 = arith.addf %scan3A_527, %mul3A_557 : vector<16xf32>
        %mul3A_559 = arith.mulf %gather3A_548, %gather3A_550 : vector<16xf32>
        %add3A_560 = arith.addf %scan3A_528, %mul3A_559 : vector<16xf32>
        %mul3A_561 = arith.mulf %gather3A_549, %gather3A_550 : vector<16xf32>
        %add3A_562 = arith.addf %scan3A_529, %mul3A_561 : vector<16xf32>
        %scan3A_563 = arith.constant 1 : i32
        %scan3A_564 = arith.addi %scan3A_517, %scan3A_563 : i32
        %broadcast_in_dim3A_565 = vector.broadcast %scan3A_564 : i32 to vector<16xi32>
        %add3A_566 = arith.addi %broadcast_in_dim3A_565, %iota3A : vector<16xi32>
        %and3A_567 = arith.constant 127 : i32
        %and3A_568 = vector.broadcast %and3A_567 : i32 to vector<16xi32>
        %and3A_569 = arith.andi %add3A_566, %and3A_568 : vector<16xi32>
        %gather3A_570 = tpu.vector_load_idx %arg17[%add3A_249, %and3A_569] : memref<256x128xf32, #tpu.memory_space<vmem>>[vector<16xi32>, vector<16xi32>], vector<16xf32>,
        %gather3A_571 = tpu.vector_load_idx %arg19[%add3A_249, %and3A_569] : memref<256x128xf32, #tpu.memory_space<vmem>>[vector<16xi32>, vector<16xi32>], vector<16xf32>,
        %gather3A_572 = tpu.vector_load_idx %arg18[%add3A_249, %and3A_569] : memref<256x128xf32, #tpu.memory_space<vmem>>[vector<16xi32>, vector<16xi32>], vector<16xf32>,
        %mul3A_573 = arith.mulf %gather3A_570, %gather3A_570 : vector<16xf32>
        %add3A_574 = arith.addf %add3A_537, %mul3A_573 : vector<16xf32>
        %mul3A_575 = arith.mulf %gather3A_571, %gather3A_571 : vector<16xf32>
        %add3A_576 = arith.addf %add3A_539, %mul3A_575 : vector<16xf32>
        %mul3A_577 = arith.mulf %gather3A_572, %gather3A_572 : vector<16xf32>
        %add3A_578 = arith.addf %add3A_541, %mul3A_577 : vector<16xf32>
        %mul3A_579 = arith.mulf %gather3A_570, %gather3A_571 : vector<16xf32>
        %add3A_580 = arith.addf %add3A_543, %mul3A_579 : vector<16xf32>
        %mul3A_581 = arith.mulf %gather3A_570, %gather3A_572 : vector<16xf32>
        %add3A_582 = arith.addf %add3A_545, %mul3A_581 : vector<16xf32>
        %mul3A_583 = arith.mulf %gather3A_571, %gather3A_572 : vector<16xf32>
        %add3A_584 = arith.addf %add3A_547, %mul3A_583 : vector<16xf32>
        %gather3A_585 = tpu.vector_load_idx %arg17[%add3A_252, %and3A_569] : memref<256x128xf32, #tpu.memory_space<vmem>>[vector<16xi32>, vector<16xi32>], vector<16xf32>,
        %gather3A_586 = tpu.vector_load_idx %arg19[%add3A_252, %and3A_569] : memref<256x128xf32, #tpu.memory_space<vmem>>[vector<16xi32>, vector<16xi32>], vector<16xf32>,
        %gather3A_587 = tpu.vector_load_idx %arg18[%add3A_252, %and3A_569] : memref<256x128xf32, #tpu.memory_space<vmem>>[vector<16xi32>, vector<16xi32>], vector<16xf32>,
        %mul3A_588 = arith.mulf %gather3A_585, %gather3A_585 : vector<16xf32>
        %add3A_589 = arith.addf %add3A_552, %mul3A_588 : vector<16xf32>
        %mul3A_590 = arith.mulf %gather3A_586, %gather3A_586 : vector<16xf32>
        %add3A_591 = arith.addf %add3A_554, %mul3A_590 : vector<16xf32>
        %mul3A_592 = arith.mulf %gather3A_587, %gather3A_587 : vector<16xf32>
        %add3A_593 = arith.addf %add3A_556, %mul3A_592 : vector<16xf32>
        %mul3A_594 = arith.mulf %gather3A_585, %gather3A_586 : vector<16xf32>
        %add3A_595 = arith.addf %add3A_558, %mul3A_594 : vector<16xf32>
        %mul3A_596 = arith.mulf %gather3A_585, %gather3A_587 : vector<16xf32>
        %add3A_597 = arith.addf %add3A_560, %mul3A_596 : vector<16xf32>
        %mul3A_598 = arith.mulf %gather3A_586, %gather3A_587 : vector<16xf32>
        %add3A_599 = arith.addf %add3A_562, %mul3A_598 : vector<16xf32>
        %scan3A_600 = arith.constant 2 : i32
        %scan3A_601 = arith.addi %scan3A_517, %scan3A_600 : i32
        %broadcast_in_dim3A_602 = vector.broadcast %scan3A_601 : i32 to vector<16xi32>
        %add3A_603 = arith.addi %broadcast_in_dim3A_602, %iota3A : vector<16xi32>
        %and3A_604 = arith.constant 127 : i32
        %and3A_605 = vector.broadcast %and3A_604 : i32 to vector<16xi32>
        %and3A_606 = arith.andi %add3A_603, %and3A_605 : vector<16xi32>
        %gather3A_607 = tpu.vector_load_idx %arg17[%add3A_249, %and3A_606] : memref<256x128xf32, #tpu.memory_space<vmem>>[vector<16xi32>, vector<16xi32>], vector<16xf32>,
        %gather3A_608 = tpu.vector_load_idx %arg19[%add3A_249, %and3A_606] : memref<256x128xf32, #tpu.memory_space<vmem>>[vector<16xi32>, vector<16xi32>], vector<16xf32>,
        %gather3A_609 = tpu.vector_load_idx %arg18[%add3A_249, %and3A_606] : memref<256x128xf32, #tpu.memory_space<vmem>>[vector<16xi32>, vector<16xi32>], vector<16xf32>,
        %mul3A_610 = arith.mulf %gather3A_607, %gather3A_607 : vector<16xf32>
        %add3A_611 = arith.addf %add3A_574, %mul3A_610 : vector<16xf32>
        %mul3A_612 = arith.mulf %gather3A_608, %gather3A_608 : vector<16xf32>
        %add3A_613 = arith.addf %add3A_576, %mul3A_612 : vector<16xf32>
        %mul3A_614 = arith.mulf %gather3A_609, %gather3A_609 : vector<16xf32>
        %add3A_615 = arith.addf %add3A_578, %mul3A_614 : vector<16xf32>
        %mul3A_616 = arith.mulf %gather3A_607, %gather3A_608 : vector<16xf32>
        %add3A_617 = arith.addf %add3A_580, %mul3A_616 : vector<16xf32>
        %mul3A_618 = arith.mulf %gather3A_607, %gather3A_609 : vector<16xf32>
        %add3A_619 = arith.addf %add3A_582, %mul3A_618 : vector<16xf32>
        %mul3A_620 = arith.mulf %gather3A_608, %gather3A_609 : vector<16xf32>
        %add3A_621 = arith.addf %add3A_584, %mul3A_620 : vector<16xf32>
        %gather3A_622 = tpu.vector_load_idx %arg17[%add3A_252, %and3A_606] : memref<256x128xf32, #tpu.memory_space<vmem>>[vector<16xi32>, vector<16xi32>], vector<16xf32>,
        %gather3A_623 = tpu.vector_load_idx %arg19[%add3A_252, %and3A_606] : memref<256x128xf32, #tpu.memory_space<vmem>>[vector<16xi32>, vector<16xi32>], vector<16xf32>,
        %gather3A_624 = tpu.vector_load_idx %arg18[%add3A_252, %and3A_606] : memref<256x128xf32, #tpu.memory_space<vmem>>[vector<16xi32>, vector<16xi32>], vector<16xf32>,
        %mul3A_625 = arith.mulf %gather3A_622, %gather3A_622 : vector<16xf32>
        %add3A_626 = arith.addf %add3A_589, %mul3A_625 : vector<16xf32>
        %mul3A_627 = arith.mulf %gather3A_623, %gather3A_623 : vector<16xf32>
        %add3A_628 = arith.addf %add3A_591, %mul3A_627 : vector<16xf32>
        %mul3A_629 = arith.mulf %gather3A_624, %gather3A_624 : vector<16xf32>
        %add3A_630 = arith.addf %add3A_593, %mul3A_629 : vector<16xf32>
        %mul3A_631 = arith.mulf %gather3A_622, %gather3A_623 : vector<16xf32>
        %add3A_632 = arith.addf %add3A_595, %mul3A_631 : vector<16xf32>
        %mul3A_633 = arith.mulf %gather3A_622, %gather3A_624 : vector<16xf32>
        %add3A_634 = arith.addf %add3A_597, %mul3A_633 : vector<16xf32>
        %mul3A_635 = arith.mulf %gather3A_623, %gather3A_624 : vector<16xf32>
        %add3A_636 = arith.addf %add3A_599, %mul3A_635 : vector<16xf32>
        %scan3A_637 = arith.constant 3 : i32
        %scan3A_638 = arith.addi %scan3A_517, %scan3A_637 : i32
        %broadcast_in_dim3A_639 = vector.broadcast %scan3A_638 : i32 to vector<16xi32>
        %add3A_640 = arith.addi %broadcast_in_dim3A_639, %iota3A : vector<16xi32>
        %and3A_641 = arith.constant 127 : i32
        %and3A_642 = vector.broadcast %and3A_641 : i32 to vector<16xi32>
        %and3A_643 = arith.andi %add3A_640, %and3A_642 : vector<16xi32>
        %gather3A_644 = tpu.vector_load_idx %arg17[%add3A_249, %and3A_643] : memref<256x128xf32, #tpu.memory_space<vmem>>[vector<16xi32>, vector<16xi32>], vector<16xf32>,
        %gather3A_645 = tpu.vector_load_idx %arg19[%add3A_249, %and3A_643] : memref<256x128xf32, #tpu.memory_space<vmem>>[vector<16xi32>, vector<16xi32>], vector<16xf32>,
        %gather3A_646 = tpu.vector_load_idx %arg18[%add3A_249, %and3A_643] : memref<256x128xf32, #tpu.memory_space<vmem>>[vector<16xi32>, vector<16xi32>], vector<16xf32>,
        %mul3A_647 = arith.mulf %gather3A_644, %gather3A_644 : vector<16xf32>
        %add3A_648 = arith.addf %add3A_611, %mul3A_647 : vector<16xf32>
        %mul3A_649 = arith.mulf %gather3A_645, %gather3A_645 : vector<16xf32>
        %add3A_650 = arith.addf %add3A_613, %mul3A_649 : vector<16xf32>
        %mul3A_651 = arith.mulf %gather3A_646, %gather3A_646 : vector<16xf32>
        %add3A_652 = arith.addf %add3A_615, %mul3A_651 : vector<16xf32>
        %mul3A_653 = arith.mulf %gather3A_644, %gather3A_645 : vector<16xf32>
        %add3A_654 = arith.addf %add3A_617, %mul3A_653 : vector<16xf32>
        %mul3A_655 = arith.mulf %gather3A_644, %gather3A_646 : vector<16xf32>
        %add3A_656 = arith.addf %add3A_619, %mul3A_655 : vector<16xf32>
        %mul3A_657 = arith.mulf %gather3A_645, %gather3A_646 : vector<16xf32>
        %add3A_658 = arith.addf %add3A_621, %mul3A_657 : vector<16xf32>
        %gather3A_659 = tpu.vector_load_idx %arg17[%add3A_252, %and3A_643] : memref<256x128xf32, #tpu.memory_space<vmem>>[vector<16xi32>, vector<16xi32>], vector<16xf32>,
        %gather3A_660 = tpu.vector_load_idx %arg19[%add3A_252, %and3A_643] : memref<256x128xf32, #tpu.memory_space<vmem>>[vector<16xi32>, vector<16xi32>], vector<16xf32>,
        %gather3A_661 = tpu.vector_load_idx %arg18[%add3A_252, %and3A_643] : memref<256x128xf32, #tpu.memory_space<vmem>>[vector<16xi32>, vector<16xi32>], vector<16xf32>,
        %mul3A_662 = arith.mulf %gather3A_659, %gather3A_659 : vector<16xf32>
        %add3A_663 = arith.addf %add3A_626, %mul3A_662 : vector<16xf32>
        %mul3A_664 = arith.mulf %gather3A_660, %gather3A_660 : vector<16xf32>
        %add3A_665 = arith.addf %add3A_628, %mul3A_664 : vector<16xf32>
        %mul3A_666 = arith.mulf %gather3A_661, %gather3A_661 : vector<16xf32>
        %add3A_667 = arith.addf %add3A_630, %mul3A_666 : vector<16xf32>
        %mul3A_668 = arith.mulf %gather3A_659, %gather3A_660 : vector<16xf32>
        %add3A_669 = arith.addf %add3A_632, %mul3A_668 : vector<16xf32>
        %mul3A_670 = arith.mulf %gather3A_659, %gather3A_661 : vector<16xf32>
        %add3A_671 = arith.addf %add3A_634, %mul3A_670 : vector<16xf32>
        %mul3A_672 = arith.mulf %gather3A_660, %gather3A_661 : vector<16xf32>
        %add3A_673 = arith.addf %add3A_636, %mul3A_672 : vector<16xf32>
        %scan3A_674 = arith.constant 4 : i32
        %scan3A_675 = arith.addi %scan3A_517, %scan3A_674 : i32
        %broadcast_in_dim3A_676 = vector.broadcast %scan3A_675 : i32 to vector<16xi32>
        %add3A_677 = arith.addi %broadcast_in_dim3A_676, %iota3A : vector<16xi32>
        %and3A_678 = arith.constant 127 : i32
        %and3A_679 = vector.broadcast %and3A_678 : i32 to vector<16xi32>
        %and3A_680 = arith.andi %add3A_677, %and3A_679 : vector<16xi32>
        %gather3A_681 = tpu.vector_load_idx %arg17[%add3A_249, %and3A_680] : memref<256x128xf32, #tpu.memory_space<vmem>>[vector<16xi32>, vector<16xi32>], vector<16xf32>,
        %gather3A_682 = tpu.vector_load_idx %arg19[%add3A_249, %and3A_680] : memref<256x128xf32, #tpu.memory_space<vmem>>[vector<16xi32>, vector<16xi32>], vector<16xf32>,
        %gather3A_683 = tpu.vector_load_idx %arg18[%add3A_249, %and3A_680] : memref<256x128xf32, #tpu.memory_space<vmem>>[vector<16xi32>, vector<16xi32>], vector<16xf32>,
        %mul3A_684 = arith.mulf %gather3A_681, %gather3A_681 : vector<16xf32>
        %add3A_685 = arith.addf %add3A_648, %mul3A_684 : vector<16xf32>
        %mul3A_686 = arith.mulf %gather3A_682, %gather3A_682 : vector<16xf32>
        %add3A_687 = arith.addf %add3A_650, %mul3A_686 : vector<16xf32>
        %mul3A_688 = arith.mulf %gather3A_683, %gather3A_683 : vector<16xf32>
        %add3A_689 = arith.addf %add3A_652, %mul3A_688 : vector<16xf32>
        %mul3A_690 = arith.mulf %gather3A_681, %gather3A_682 : vector<16xf32>
        %add3A_691 = arith.addf %add3A_654, %mul3A_690 : vector<16xf32>
        %mul3A_692 = arith.mulf %gather3A_681, %gather3A_683 : vector<16xf32>
        %add3A_693 = arith.addf %add3A_656, %mul3A_692 : vector<16xf32>
        %mul3A_694 = arith.mulf %gather3A_682, %gather3A_683 : vector<16xf32>
        %add3A_695 = arith.addf %add3A_658, %mul3A_694 : vector<16xf32>
        %gather3A_696 = tpu.vector_load_idx %arg17[%add3A_252, %and3A_680] : memref<256x128xf32, #tpu.memory_space<vmem>>[vector<16xi32>, vector<16xi32>], vector<16xf32>,
        %gather3A_697 = tpu.vector_load_idx %arg19[%add3A_252, %and3A_680] : memref<256x128xf32, #tpu.memory_space<vmem>>[vector<16xi32>, vector<16xi32>], vector<16xf32>,
        %gather3A_698 = tpu.vector_load_idx %arg18[%add3A_252, %and3A_680] : memref<256x128xf32, #tpu.memory_space<vmem>>[vector<16xi32>, vector<16xi32>], vector<16xf32>,
        %mul3A_699 = arith.mulf %gather3A_696, %gather3A_696 : vector<16xf32>
        %add3A_700 = arith.addf %add3A_663, %mul3A_699 : vector<16xf32>
        %mul3A_701 = arith.mulf %gather3A_697, %gather3A_697 : vector<16xf32>
        %add3A_702 = arith.addf %add3A_665, %mul3A_701 : vector<16xf32>
        %mul3A_703 = arith.mulf %gather3A_698, %gather3A_698 : vector<16xf32>
        %add3A_704 = arith.addf %add3A_667, %mul3A_703 : vector<16xf32>
        %mul3A_705 = arith.mulf %gather3A_696, %gather3A_697 : vector<16xf32>
        %add3A_706 = arith.addf %add3A_669, %mul3A_705 : vector<16xf32>
        %mul3A_707 = arith.mulf %gather3A_696, %gather3A_698 : vector<16xf32>
        %add3A_708 = arith.addf %add3A_671, %mul3A_707 : vector<16xf32>
        %mul3A_709 = arith.mulf %gather3A_697, %gather3A_698 : vector<16xf32>
        %add3A_710 = arith.addf %add3A_673, %mul3A_709 : vector<16xf32>
        %scan3A_711 = arith.constant 5 : i32
        %scan3A_712 = arith.addi %scan3A_517, %scan3A_711 : i32
        %broadcast_in_dim3A_713 = vector.broadcast %scan3A_712 : i32 to vector<16xi32>
        %add3A_714 = arith.addi %broadcast_in_dim3A_713, %iota3A : vector<16xi32>
        %and3A_715 = arith.constant 127 : i32
        %and3A_716 = vector.broadcast %and3A_715 : i32 to vector<16xi32>
        %and3A_717 = arith.andi %add3A_714, %and3A_716 : vector<16xi32>
        %gather3A_718 = tpu.vector_load_idx %arg17[%add3A_249, %and3A_717] : memref<256x128xf32, #tpu.memory_space<vmem>>[vector<16xi32>, vector<16xi32>], vector<16xf32>,
        %gather3A_719 = tpu.vector_load_idx %arg19[%add3A_249, %and3A_717] : memref<256x128xf32, #tpu.memory_space<vmem>>[vector<16xi32>, vector<16xi32>], vector<16xf32>,
        %gather3A_720 = tpu.vector_load_idx %arg18[%add3A_249, %and3A_717] : memref<256x128xf32, #tpu.memory_space<vmem>>[vector<16xi32>, vector<16xi32>], vector<16xf32>,
        %mul3A_721 = arith.mulf %gather3A_718, %gather3A_718 : vector<16xf32>
        %add3A_722 = arith.addf %add3A_685, %mul3A_721 : vector<16xf32>
        %mul3A_723 = arith.mulf %gather3A_719, %gather3A_719 : vector<16xf32>
        %add3A_724 = arith.addf %add3A_687, %mul3A_723 : vector<16xf32>
        %mul3A_725 = arith.mulf %gather3A_720, %gather3A_720 : vector<16xf32>
        %add3A_726 = arith.addf %add3A_689, %mul3A_725 : vector<16xf32>
        %mul3A_727 = arith.mulf %gather3A_718, %gather3A_719 : vector<16xf32>
        %add3A_728 = arith.addf %add3A_691, %mul3A_727 : vector<16xf32>
        %mul3A_729 = arith.mulf %gather3A_718, %gather3A_720 : vector<16xf32>
        %add3A_730 = arith.addf %add3A_693, %mul3A_729 : vector<16xf32>
        %mul3A_731 = arith.mulf %gather3A_719, %gather3A_720 : vector<16xf32>
        %add3A_732 = arith.addf %add3A_695, %mul3A_731 : vector<16xf32>
        %gather3A_733 = tpu.vector_load_idx %arg17[%add3A_252, %and3A_717] : memref<256x128xf32, #tpu.memory_space<vmem>>[vector<16xi32>, vector<16xi32>], vector<16xf32>,
        %gather3A_734 = tpu.vector_load_idx %arg19[%add3A_252, %and3A_717] : memref<256x128xf32, #tpu.memory_space<vmem>>[vector<16xi32>, vector<16xi32>], vector<16xf32>,
        %gather3A_735 = tpu.vector_load_idx %arg18[%add3A_252, %and3A_717] : memref<256x128xf32, #tpu.memory_space<vmem>>[vector<16xi32>, vector<16xi32>], vector<16xf32>,
        %mul3A_736 = arith.mulf %gather3A_733, %gather3A_733 : vector<16xf32>
        %add3A_737 = arith.addf %add3A_700, %mul3A_736 : vector<16xf32>
        %mul3A_738 = arith.mulf %gather3A_734, %gather3A_734 : vector<16xf32>
        %add3A_739 = arith.addf %add3A_702, %mul3A_738 : vector<16xf32>
        %mul3A_740 = arith.mulf %gather3A_735, %gather3A_735 : vector<16xf32>
        %add3A_741 = arith.addf %add3A_704, %mul3A_740 : vector<16xf32>
        %mul3A_742 = arith.mulf %gather3A_733, %gather3A_734 : vector<16xf32>
        %add3A_743 = arith.addf %add3A_706, %mul3A_742 : vector<16xf32>
        %mul3A_744 = arith.mulf %gather3A_733, %gather3A_735 : vector<16xf32>
        %add3A_745 = arith.addf %add3A_708, %mul3A_744 : vector<16xf32>
        %mul3A_746 = arith.mulf %gather3A_734, %gather3A_735 : vector<16xf32>
        %add3A_747 = arith.addf %add3A_710, %mul3A_746 : vector<16xf32>
        %scan3A_748 = arith.constant 6 : i32
        %scan3A_749 = arith.addi %scan3A_517, %scan3A_748 : i32
        %broadcast_in_dim3A_750 = vector.broadcast %scan3A_749 : i32 to vector<16xi32>
        %add3A_751 = arith.addi %broadcast_in_dim3A_750, %iota3A : vector<16xi32>
        %and3A_752 = arith.constant 127 : i32
        %and3A_753 = vector.broadcast %and3A_752 : i32 to vector<16xi32>
        %and3A_754 = arith.andi %add3A_751, %and3A_753 : vector<16xi32>
        %gather3A_755 = tpu.vector_load_idx %arg17[%add3A_249, %and3A_754] : memref<256x128xf32, #tpu.memory_space<vmem>>[vector<16xi32>, vector<16xi32>], vector<16xf32>,
        %gather3A_756 = tpu.vector_load_idx %arg19[%add3A_249, %and3A_754] : memref<256x128xf32, #tpu.memory_space<vmem>>[vector<16xi32>, vector<16xi32>], vector<16xf32>,
        %gather3A_757 = tpu.vector_load_idx %arg18[%add3A_249, %and3A_754] : memref<256x128xf32, #tpu.memory_space<vmem>>[vector<16xi32>, vector<16xi32>], vector<16xf32>,
        %mul3A_758 = arith.mulf %gather3A_755, %gather3A_755 : vector<16xf32>
        %add3A_759 = arith.addf %add3A_722, %mul3A_758 : vector<16xf32>
        %mul3A_760 = arith.mulf %gather3A_756, %gather3A_756 : vector<16xf32>
        %add3A_761 = arith.addf %add3A_724, %mul3A_760 : vector<16xf32>
        %mul3A_762 = arith.mulf %gather3A_757, %gather3A_757 : vector<16xf32>
        %add3A_763 = arith.addf %add3A_726, %mul3A_762 : vector<16xf32>
        %mul3A_764 = arith.mulf %gather3A_755, %gather3A_756 : vector<16xf32>
        %add3A_765 = arith.addf %add3A_728, %mul3A_764 : vector<16xf32>
        %mul3A_766 = arith.mulf %gather3A_755, %gather3A_757 : vector<16xf32>
        %add3A_767 = arith.addf %add3A_730, %mul3A_766 : vector<16xf32>
        %mul3A_768 = arith.mulf %gather3A_756, %gather3A_757 : vector<16xf32>
        %add3A_769 = arith.addf %add3A_732, %mul3A_768 : vector<16xf32>
        %gather3A_770 = tpu.vector_load_idx %arg17[%add3A_252, %and3A_754] : memref<256x128xf32, #tpu.memory_space<vmem>>[vector<16xi32>, vector<16xi32>], vector<16xf32>,
        %gather3A_771 = tpu.vector_load_idx %arg19[%add3A_252, %and3A_754] : memref<256x128xf32, #tpu.memory_space<vmem>>[vector<16xi32>, vector<16xi32>], vector<16xf32>,
        %gather3A_772 = tpu.vector_load_idx %arg18[%add3A_252, %and3A_754] : memref<256x128xf32, #tpu.memory_space<vmem>>[vector<16xi32>, vector<16xi32>], vector<16xf32>,
        %mul3A_773 = arith.mulf %gather3A_770, %gather3A_770 : vector<16xf32>
        %add3A_774 = arith.addf %add3A_737, %mul3A_773 : vector<16xf32>
        %mul3A_775 = arith.mulf %gather3A_771, %gather3A_771 : vector<16xf32>
        %add3A_776 = arith.addf %add3A_739, %mul3A_775 : vector<16xf32>
        %mul3A_777 = arith.mulf %gather3A_772, %gather3A_772 : vector<16xf32>
        %add3A_778 = arith.addf %add3A_741, %mul3A_777 : vector<16xf32>
        %mul3A_779 = arith.mulf %gather3A_770, %gather3A_771 : vector<16xf32>
        %add3A_780 = arith.addf %add3A_743, %mul3A_779 : vector<16xf32>
        %mul3A_781 = arith.mulf %gather3A_770, %gather3A_772 : vector<16xf32>
        %add3A_782 = arith.addf %add3A_745, %mul3A_781 : vector<16xf32>
        %mul3A_783 = arith.mulf %gather3A_771, %gather3A_772 : vector<16xf32>
        %add3A_784 = arith.addf %add3A_747, %mul3A_783 : vector<16xf32>
        %scan3A_785 = arith.constant 7 : i32
        %scan3A_786 = arith.addi %scan3A_517, %scan3A_785 : i32
        %broadcast_in_dim3A_787 = vector.broadcast %scan3A_786 : i32 to vector<16xi32>
        %add3A_788 = arith.addi %broadcast_in_dim3A_787, %iota3A : vector<16xi32>
        %and3A_789 = arith.constant 127 : i32
        %and3A_790 = vector.broadcast %and3A_789 : i32 to vector<16xi32>
        %and3A_791 = arith.andi %add3A_788, %and3A_790 : vector<16xi32>
        %gather3A_792 = tpu.vector_load_idx %arg17[%add3A_249, %and3A_791] : memref<256x128xf32, #tpu.memory_space<vmem>>[vector<16xi32>, vector<16xi32>], vector<16xf32>,
        %gather3A_793 = tpu.vector_load_idx %arg19[%add3A_249, %and3A_791] : memref<256x128xf32, #tpu.memory_space<vmem>>[vector<16xi32>, vector<16xi32>], vector<16xf32>,
        %gather3A_794 = tpu.vector_load_idx %arg18[%add3A_249, %and3A_791] : memref<256x128xf32, #tpu.memory_space<vmem>>[vector<16xi32>, vector<16xi32>], vector<16xf32>,
        %mul3A_795 = arith.mulf %gather3A_792, %gather3A_792 : vector<16xf32>
        %add3A_796 = arith.addf %add3A_759, %mul3A_795 : vector<16xf32>
        %mul3A_797 = arith.mulf %gather3A_793, %gather3A_793 : vector<16xf32>
        %add3A_798 = arith.addf %add3A_761, %mul3A_797 : vector<16xf32>
        %mul3A_799 = arith.mulf %gather3A_794, %gather3A_794 : vector<16xf32>
        %add3A_800 = arith.addf %add3A_763, %mul3A_799 : vector<16xf32>
        %mul3A_801 = arith.mulf %gather3A_792, %gather3A_793 : vector<16xf32>
        %add3A_802 = arith.addf %add3A_765, %mul3A_801 : vector<16xf32>
        %mul3A_803 = arith.mulf %gather3A_792, %gather3A_794 : vector<16xf32>
        %add3A_804 = arith.addf %add3A_767, %mul3A_803 : vector<16xf32>
        %mul3A_805 = arith.mulf %gather3A_793, %gather3A_794 : vector<16xf32>
        %add3A_806 = arith.addf %add3A_769, %mul3A_805 : vector<16xf32>
        %gather3A_807 = tpu.vector_load_idx %arg17[%add3A_252, %and3A_791] : memref<256x128xf32, #tpu.memory_space<vmem>>[vector<16xi32>, vector<16xi32>], vector<16xf32>,
        %gather3A_808 = tpu.vector_load_idx %arg19[%add3A_252, %and3A_791] : memref<256x128xf32, #tpu.memory_space<vmem>>[vector<16xi32>, vector<16xi32>], vector<16xf32>,
        %gather3A_809 = tpu.vector_load_idx %arg18[%add3A_252, %and3A_791] : memref<256x128xf32, #tpu.memory_space<vmem>>[vector<16xi32>, vector<16xi32>], vector<16xf32>,
        %mul3A_810 = arith.mulf %gather3A_807, %gather3A_807 : vector<16xf32>
        %add3A_811 = arith.addf %add3A_774, %mul3A_810 : vector<16xf32>
        %mul3A_812 = arith.mulf %gather3A_808, %gather3A_808 : vector<16xf32>
        %add3A_813 = arith.addf %add3A_776, %mul3A_812 : vector<16xf32>
        %mul3A_814 = arith.mulf %gather3A_809, %gather3A_809 : vector<16xf32>
        %add3A_815 = arith.addf %add3A_778, %mul3A_814 : vector<16xf32>
        %mul3A_816 = arith.mulf %gather3A_807, %gather3A_808 : vector<16xf32>
        %add3A_817 = arith.addf %add3A_780, %mul3A_816 : vector<16xf32>
        %mul3A_818 = arith.mulf %gather3A_807, %gather3A_809 : vector<16xf32>
        %add3A_819 = arith.addf %add3A_782, %mul3A_818 : vector<16xf32>
        %mul3A_820 = arith.mulf %gather3A_808, %gather3A_809 : vector<16xf32>
        %add3A_821 = arith.addf %add3A_784, %mul3A_820 : vector<16xf32>
        %scan3A_822 = arith.constant 8 : i32
        %scan3A_823 = arith.addi %scan3A_517, %scan3A_822 : i32
        %broadcast_in_dim3A_824 = vector.broadcast %scan3A_823 : i32 to vector<16xi32>
        %add3A_825 = arith.addi %broadcast_in_dim3A_824, %iota3A : vector<16xi32>
        %and3A_826 = arith.constant 127 : i32
        %and3A_827 = vector.broadcast %and3A_826 : i32 to vector<16xi32>
        %and3A_828 = arith.andi %add3A_825, %and3A_827 : vector<16xi32>
        %gather3A_829 = tpu.vector_load_idx %arg17[%add3A_249, %and3A_828] : memref<256x128xf32, #tpu.memory_space<vmem>>[vector<16xi32>, vector<16xi32>], vector<16xf32>,
        %gather3A_830 = tpu.vector_load_idx %arg19[%add3A_249, %and3A_828] : memref<256x128xf32, #tpu.memory_space<vmem>>[vector<16xi32>, vector<16xi32>], vector<16xf32>,
        %gather3A_831 = tpu.vector_load_idx %arg18[%add3A_249, %and3A_828] : memref<256x128xf32, #tpu.memory_space<vmem>>[vector<16xi32>, vector<16xi32>], vector<16xf32>,
        %mul3A_832 = arith.mulf %gather3A_829, %gather3A_829 : vector<16xf32>
        %add3A_833 = arith.addf %add3A_796, %mul3A_832 : vector<16xf32>
        %mul3A_834 = arith.mulf %gather3A_830, %gather3A_830 : vector<16xf32>
        %add3A_835 = arith.addf %add3A_798, %mul3A_834 : vector<16xf32>
        %mul3A_836 = arith.mulf %gather3A_831, %gather3A_831 : vector<16xf32>
        %add3A_837 = arith.addf %add3A_800, %mul3A_836 : vector<16xf32>
        %mul3A_838 = arith.mulf %gather3A_829, %gather3A_830 : vector<16xf32>
        %add3A_839 = arith.addf %add3A_802, %mul3A_838 : vector<16xf32>
        %mul3A_840 = arith.mulf %gather3A_829, %gather3A_831 : vector<16xf32>
        %add3A_841 = arith.addf %add3A_804, %mul3A_840 : vector<16xf32>
        %mul3A_842 = arith.mulf %gather3A_830, %gather3A_831 : vector<16xf32>
        %add3A_843 = arith.addf %add3A_806, %mul3A_842 : vector<16xf32>
        %gather3A_844 = tpu.vector_load_idx %arg17[%add3A_252, %and3A_828] : memref<256x128xf32, #tpu.memory_space<vmem>>[vector<16xi32>, vector<16xi32>], vector<16xf32>,
        %gather3A_845 = tpu.vector_load_idx %arg19[%add3A_252, %and3A_828] : memref<256x128xf32, #tpu.memory_space<vmem>>[vector<16xi32>, vector<16xi32>], vector<16xf32>,
        %gather3A_846 = tpu.vector_load_idx %arg18[%add3A_252, %and3A_828] : memref<256x128xf32, #tpu.memory_space<vmem>>[vector<16xi32>, vector<16xi32>], vector<16xf32>,
        %mul3A_847 = arith.mulf %gather3A_844, %gather3A_844 : vector<16xf32>
        %add3A_848 = arith.addf %add3A_811, %mul3A_847 : vector<16xf32>
        %mul3A_849 = arith.mulf %gather3A_845, %gather3A_845 : vector<16xf32>
        %add3A_850 = arith.addf %add3A_813, %mul3A_849 : vector<16xf32>
        %mul3A_851 = arith.mulf %gather3A_846, %gather3A_846 : vector<16xf32>
        %add3A_852 = arith.addf %add3A_815, %mul3A_851 : vector<16xf32>
        %mul3A_853 = arith.mulf %gather3A_844, %gather3A_845 : vector<16xf32>
        %add3A_854 = arith.addf %add3A_817, %mul3A_853 : vector<16xf32>
        %mul3A_855 = arith.mulf %gather3A_844, %gather3A_846 : vector<16xf32>
        %add3A_856 = arith.addf %add3A_819, %mul3A_855 : vector<16xf32>
        %mul3A_857 = arith.mulf %gather3A_845, %gather3A_846 : vector<16xf32>
        %add3A_858 = arith.addf %add3A_821, %mul3A_857 : vector<16xf32>
        %scan3A_859 = arith.constant 9 : i32
        %scan3A_860 = arith.addi %scan3A_517, %scan3A_859 : i32
        %broadcast_in_dim3A_861 = vector.broadcast %scan3A_860 : i32 to vector<16xi32>
        %add3A_862 = arith.addi %broadcast_in_dim3A_861, %iota3A : vector<16xi32>
        %and3A_863 = arith.constant 127 : i32
        %and3A_864 = vector.broadcast %and3A_863 : i32 to vector<16xi32>
        %and3A_865 = arith.andi %add3A_862, %and3A_864 : vector<16xi32>
        %gather3A_866 = tpu.vector_load_idx %arg17[%add3A_249, %and3A_865] : memref<256x128xf32, #tpu.memory_space<vmem>>[vector<16xi32>, vector<16xi32>], vector<16xf32>,
        %gather3A_867 = tpu.vector_load_idx %arg19[%add3A_249, %and3A_865] : memref<256x128xf32, #tpu.memory_space<vmem>>[vector<16xi32>, vector<16xi32>], vector<16xf32>,
        %gather3A_868 = tpu.vector_load_idx %arg18[%add3A_249, %and3A_865] : memref<256x128xf32, #tpu.memory_space<vmem>>[vector<16xi32>, vector<16xi32>], vector<16xf32>,
        %mul3A_869 = arith.mulf %gather3A_866, %gather3A_866 : vector<16xf32>
        %add3A_870 = arith.addf %add3A_833, %mul3A_869 : vector<16xf32>
        %mul3A_871 = arith.mulf %gather3A_867, %gather3A_867 : vector<16xf32>
        %add3A_872 = arith.addf %add3A_835, %mul3A_871 : vector<16xf32>
        %mul3A_873 = arith.mulf %gather3A_868, %gather3A_868 : vector<16xf32>
        %add3A_874 = arith.addf %add3A_837, %mul3A_873 : vector<16xf32>
        %mul3A_875 = arith.mulf %gather3A_866, %gather3A_867 : vector<16xf32>
        %add3A_876 = arith.addf %add3A_839, %mul3A_875 : vector<16xf32>
        %mul3A_877 = arith.mulf %gather3A_866, %gather3A_868 : vector<16xf32>
        %add3A_878 = arith.addf %add3A_841, %mul3A_877 : vector<16xf32>
        %mul3A_879 = arith.mulf %gather3A_867, %gather3A_868 : vector<16xf32>
        %add3A_880 = arith.addf %add3A_843, %mul3A_879 : vector<16xf32>
        %gather3A_881 = tpu.vector_load_idx %arg17[%add3A_252, %and3A_865] : memref<256x128xf32, #tpu.memory_space<vmem>>[vector<16xi32>, vector<16xi32>], vector<16xf32>,
        %gather3A_882 = tpu.vector_load_idx %arg19[%add3A_252, %and3A_865] : memref<256x128xf32, #tpu.memory_space<vmem>>[vector<16xi32>, vector<16xi32>], vector<16xf32>,
        %gather3A_883 = tpu.vector_load_idx %arg18[%add3A_252, %and3A_865] : memref<256x128xf32, #tpu.memory_space<vmem>>[vector<16xi32>, vector<16xi32>], vector<16xf32>,
        %mul3A_884 = arith.mulf %gather3A_881, %gather3A_881 : vector<16xf32>
        %add3A_885 = arith.addf %add3A_848, %mul3A_884 : vector<16xf32>
        %mul3A_886 = arith.mulf %gather3A_882, %gather3A_882 : vector<16xf32>
        %add3A_887 = arith.addf %add3A_850, %mul3A_886 : vector<16xf32>
        %mul3A_888 = arith.mulf %gather3A_883, %gather3A_883 : vector<16xf32>
        %add3A_889 = arith.addf %add3A_852, %mul3A_888 : vector<16xf32>
        %mul3A_890 = arith.mulf %gather3A_881, %gather3A_882 : vector<16xf32>
        %add3A_891 = arith.addf %add3A_854, %mul3A_890 : vector<16xf32>
        %mul3A_892 = arith.mulf %gather3A_881, %gather3A_883 : vector<16xf32>
        %add3A_893 = arith.addf %add3A_856, %mul3A_892 : vector<16xf32>
        %mul3A_894 = arith.mulf %gather3A_882, %gather3A_883 : vector<16xf32>
        %add3A_895 = arith.addf %add3A_858, %mul3A_894 : vector<16xf32>
        %scan3A_896 = arith.constant 10 : i32
        %scan3A_897 = arith.addi %scan3A_517, %scan3A_896 : i32
        %broadcast_in_dim3A_898 = vector.broadcast %scan3A_897 : i32 to vector<16xi32>
        %add3A_899 = arith.addi %broadcast_in_dim3A_898, %iota3A : vector<16xi32>
        %and3A_900 = arith.constant 127 : i32
        %and3A_901 = vector.broadcast %and3A_900 : i32 to vector<16xi32>
        %and3A_902 = arith.andi %add3A_899, %and3A_901 : vector<16xi32>
        %gather3A_903 = tpu.vector_load_idx %arg17[%add3A_249, %and3A_902] : memref<256x128xf32, #tpu.memory_space<vmem>>[vector<16xi32>, vector<16xi32>], vector<16xf32>,
        %gather3A_904 = tpu.vector_load_idx %arg19[%add3A_249, %and3A_902] : memref<256x128xf32, #tpu.memory_space<vmem>>[vector<16xi32>, vector<16xi32>], vector<16xf32>,
        %gather3A_905 = tpu.vector_load_idx %arg18[%add3A_249, %and3A_902] : memref<256x128xf32, #tpu.memory_space<vmem>>[vector<16xi32>, vector<16xi32>], vector<16xf32>,
        %mul3A_906 = arith.mulf %gather3A_903, %gather3A_903 : vector<16xf32>
        %add3A_907 = arith.addf %add3A_870, %mul3A_906 : vector<16xf32>
        %mul3A_908 = arith.mulf %gather3A_904, %gather3A_904 : vector<16xf32>
        %add3A_909 = arith.addf %add3A_872, %mul3A_908 : vector<16xf32>
        %mul3A_910 = arith.mulf %gather3A_905, %gather3A_905 : vector<16xf32>
        %add3A_911 = arith.addf %add3A_874, %mul3A_910 : vector<16xf32>
        %mul3A_912 = arith.mulf %gather3A_903, %gather3A_904 : vector<16xf32>
        %add3A_913 = arith.addf %add3A_876, %mul3A_912 : vector<16xf32>
        %mul3A_914 = arith.mulf %gather3A_903, %gather3A_905 : vector<16xf32>
        %add3A_915 = arith.addf %add3A_878, %mul3A_914 : vector<16xf32>
        %mul3A_916 = arith.mulf %gather3A_904, %gather3A_905 : vector<16xf32>
        %add3A_917 = arith.addf %add3A_880, %mul3A_916 : vector<16xf32>
        %gather3A_918 = tpu.vector_load_idx %arg17[%add3A_252, %and3A_902] : memref<256x128xf32, #tpu.memory_space<vmem>>[vector<16xi32>, vector<16xi32>], vector<16xf32>,
        %gather3A_919 = tpu.vector_load_idx %arg19[%add3A_252, %and3A_902] : memref<256x128xf32, #tpu.memory_space<vmem>>[vector<16xi32>, vector<16xi32>], vector<16xf32>,
        %gather3A_920 = tpu.vector_load_idx %arg18[%add3A_252, %and3A_902] : memref<256x128xf32, #tpu.memory_space<vmem>>[vector<16xi32>, vector<16xi32>], vector<16xf32>,
        %mul3A_921 = arith.mulf %gather3A_918, %gather3A_918 : vector<16xf32>
        %add3A_922 = arith.addf %add3A_885, %mul3A_921 : vector<16xf32>
        %mul3A_923 = arith.mulf %gather3A_919, %gather3A_919 : vector<16xf32>
        %add3A_924 = arith.addf %add3A_887, %mul3A_923 : vector<16xf32>
        %mul3A_925 = arith.mulf %gather3A_920, %gather3A_920 : vector<16xf32>
        %add3A_926 = arith.addf %add3A_889, %mul3A_925 : vector<16xf32>
        %mul3A_927 = arith.mulf %gather3A_918, %gather3A_919 : vector<16xf32>
        %add3A_928 = arith.addf %add3A_891, %mul3A_927 : vector<16xf32>
        %mul3A_929 = arith.mulf %gather3A_918, %gather3A_920 : vector<16xf32>
        %add3A_930 = arith.addf %add3A_893, %mul3A_929 : vector<16xf32>
        %mul3A_931 = arith.mulf %gather3A_919, %gather3A_920 : vector<16xf32>
        %add3A_932 = arith.addf %add3A_895, %mul3A_931 : vector<16xf32>
        %scan3A_933 = arith.constant 11 : i32
        %scan3A_934 = arith.addi %scan3A_517, %scan3A_933 : i32
        %broadcast_in_dim3A_935 = vector.broadcast %scan3A_934 : i32 to vector<16xi32>
        %add3A_936 = arith.addi %broadcast_in_dim3A_935, %iota3A : vector<16xi32>
        %and3A_937 = arith.constant 127 : i32
        %and3A_938 = vector.broadcast %and3A_937 : i32 to vector<16xi32>
        %and3A_939 = arith.andi %add3A_936, %and3A_938 : vector<16xi32>
        %gather3A_940 = tpu.vector_load_idx %arg17[%add3A_249, %and3A_939] : memref<256x128xf32, #tpu.memory_space<vmem>>[vector<16xi32>, vector<16xi32>], vector<16xf32>,
        %gather3A_941 = tpu.vector_load_idx %arg19[%add3A_249, %and3A_939] : memref<256x128xf32, #tpu.memory_space<vmem>>[vector<16xi32>, vector<16xi32>], vector<16xf32>,
        %gather3A_942 = tpu.vector_load_idx %arg18[%add3A_249, %and3A_939] : memref<256x128xf32, #tpu.memory_space<vmem>>[vector<16xi32>, vector<16xi32>], vector<16xf32>,
        %mul3A_943 = arith.mulf %gather3A_940, %gather3A_940 : vector<16xf32>
        %add3A_944 = arith.addf %add3A_907, %mul3A_943 : vector<16xf32>
        %mul3A_945 = arith.mulf %gather3A_941, %gather3A_941 : vector<16xf32>
        %add3A_946 = arith.addf %add3A_909, %mul3A_945 : vector<16xf32>
        %mul3A_947 = arith.mulf %gather3A_942, %gather3A_942 : vector<16xf32>
        %add3A_948 = arith.addf %add3A_911, %mul3A_947 : vector<16xf32>
        %mul3A_949 = arith.mulf %gather3A_940, %gather3A_941 : vector<16xf32>
        %add3A_950 = arith.addf %add3A_913, %mul3A_949 : vector<16xf32>
        %mul3A_951 = arith.mulf %gather3A_940, %gather3A_942 : vector<16xf32>
        %add3A_952 = arith.addf %add3A_915, %mul3A_951 : vector<16xf32>
        %mul3A_953 = arith.mulf %gather3A_941, %gather3A_942 : vector<16xf32>
        %add3A_954 = arith.addf %add3A_917, %mul3A_953 : vector<16xf32>
        %gather3A_955 = tpu.vector_load_idx %arg17[%add3A_252, %and3A_939] : memref<256x128xf32, #tpu.memory_space<vmem>>[vector<16xi32>, vector<16xi32>], vector<16xf32>,
        %gather3A_956 = tpu.vector_load_idx %arg19[%add3A_252, %and3A_939] : memref<256x128xf32, #tpu.memory_space<vmem>>[vector<16xi32>, vector<16xi32>], vector<16xf32>,
        %gather3A_957 = tpu.vector_load_idx %arg18[%add3A_252, %and3A_939] : memref<256x128xf32, #tpu.memory_space<vmem>>[vector<16xi32>, vector<16xi32>], vector<16xf32>,
        %mul3A_958 = arith.mulf %gather3A_955, %gather3A_955 : vector<16xf32>
        %add3A_959 = arith.addf %add3A_922, %mul3A_958 : vector<16xf32>
        %mul3A_960 = arith.mulf %gather3A_956, %gather3A_956 : vector<16xf32>
        %add3A_961 = arith.addf %add3A_924, %mul3A_960 : vector<16xf32>
        %mul3A_962 = arith.mulf %gather3A_957, %gather3A_957 : vector<16xf32>
        %add3A_963 = arith.addf %add3A_926, %mul3A_962 : vector<16xf32>
        %mul3A_964 = arith.mulf %gather3A_955, %gather3A_956 : vector<16xf32>
        %add3A_965 = arith.addf %add3A_928, %mul3A_964 : vector<16xf32>
        %mul3A_966 = arith.mulf %gather3A_955, %gather3A_957 : vector<16xf32>
        %add3A_967 = arith.addf %add3A_930, %mul3A_966 : vector<16xf32>
        %mul3A_968 = arith.mulf %gather3A_956, %gather3A_957 : vector<16xf32>
        %add3A_969 = arith.addf %add3A_932, %mul3A_968 : vector<16xf32>
        %scan3A_970 = arith.constant 12 : i32
        %scan3A_971 = arith.addi %scan3A_517, %scan3A_970 : i32
        %broadcast_in_dim3A_972 = vector.broadcast %scan3A_971 : i32 to vector<16xi32>
        %add3A_973 = arith.addi %broadcast_in_dim3A_972, %iota3A : vector<16xi32>
        %and3A_974 = arith.constant 127 : i32
        %and3A_975 = vector.broadcast %and3A_974 : i32 to vector<16xi32>
        %and3A_976 = arith.andi %add3A_973, %and3A_975 : vector<16xi32>
        %gather3A_977 = tpu.vector_load_idx %arg17[%add3A_249, %and3A_976] : memref<256x128xf32, #tpu.memory_space<vmem>>[vector<16xi32>, vector<16xi32>], vector<16xf32>,
        %gather3A_978 = tpu.vector_load_idx %arg19[%add3A_249, %and3A_976] : memref<256x128xf32, #tpu.memory_space<vmem>>[vector<16xi32>, vector<16xi32>], vector<16xf32>,
        %gather3A_979 = tpu.vector_load_idx %arg18[%add3A_249, %and3A_976] : memref<256x128xf32, #tpu.memory_space<vmem>>[vector<16xi32>, vector<16xi32>], vector<16xf32>,
        %mul3A_980 = arith.mulf %gather3A_977, %gather3A_977 : vector<16xf32>
        %add3A_981 = arith.addf %add3A_944, %mul3A_980 : vector<16xf32>
        %mul3A_982 = arith.mulf %gather3A_978, %gather3A_978 : vector<16xf32>
        %add3A_983 = arith.addf %add3A_946, %mul3A_982 : vector<16xf32>
        %mul3A_984 = arith.mulf %gather3A_979, %gather3A_979 : vector<16xf32>
        %add3A_985 = arith.addf %add3A_948, %mul3A_984 : vector<16xf32>
        %mul3A_986 = arith.mulf %gather3A_977, %gather3A_978 : vector<16xf32>
        %add3A_987 = arith.addf %add3A_950, %mul3A_986 : vector<16xf32>
        %mul3A_988 = arith.mulf %gather3A_977, %gather3A_979 : vector<16xf32>
        %add3A_989 = arith.addf %add3A_952, %mul3A_988 : vector<16xf32>
        %mul3A_990 = arith.mulf %gather3A_978, %gather3A_979 : vector<16xf32>
        %add3A_991 = arith.addf %add3A_954, %mul3A_990 : vector<16xf32>
        %gather3A_992 = tpu.vector_load_idx %arg17[%add3A_252, %and3A_976] : memref<256x128xf32, #tpu.memory_space<vmem>>[vector<16xi32>, vector<16xi32>], vector<16xf32>,
        %gather3A_993 = tpu.vector_load_idx %arg19[%add3A_252, %and3A_976] : memref<256x128xf32, #tpu.memory_space<vmem>>[vector<16xi32>, vector<16xi32>], vector<16xf32>,
        %gather3A_994 = tpu.vector_load_idx %arg18[%add3A_252, %and3A_976] : memref<256x128xf32, #tpu.memory_space<vmem>>[vector<16xi32>, vector<16xi32>], vector<16xf32>,
        %mul3A_995 = arith.mulf %gather3A_992, %gather3A_992 : vector<16xf32>
        %add3A_996 = arith.addf %add3A_959, %mul3A_995 : vector<16xf32>
        %mul3A_997 = arith.mulf %gather3A_993, %gather3A_993 : vector<16xf32>
        %add3A_998 = arith.addf %add3A_961, %mul3A_997 : vector<16xf32>
        %mul3A_999 = arith.mulf %gather3A_994, %gather3A_994 : vector<16xf32>
        %add3A_1000 = arith.addf %add3A_963, %mul3A_999 : vector<16xf32>
        %mul3A_1001 = arith.mulf %gather3A_992, %gather3A_993 : vector<16xf32>
        %add3A_1002 = arith.addf %add3A_965, %mul3A_1001 : vector<16xf32>
        %mul3A_1003 = arith.mulf %gather3A_992, %gather3A_994 : vector<16xf32>
        %add3A_1004 = arith.addf %add3A_967, %mul3A_1003 : vector<16xf32>
        %mul3A_1005 = arith.mulf %gather3A_993, %gather3A_994 : vector<16xf32>
        %add3A_1006 = arith.addf %add3A_969, %mul3A_1005 : vector<16xf32>
        %scan3A_1007 = arith.constant 13 : i32
        %scan3A_1008 = arith.addi %scan3A_517, %scan3A_1007 : i32
        %broadcast_in_dim3A_1009 = vector.broadcast %scan3A_1008 : i32 to vector<16xi32>
        %add3A_1010 = arith.addi %broadcast_in_dim3A_1009, %iota3A : vector<16xi32>
        %and3A_1011 = arith.constant 127 : i32
        %and3A_1012 = vector.broadcast %and3A_1011 : i32 to vector<16xi32>
        %and3A_1013 = arith.andi %add3A_1010, %and3A_1012 : vector<16xi32>
        %gather3A_1014 = tpu.vector_load_idx %arg17[%add3A_249, %and3A_1013] : memref<256x128xf32, #tpu.memory_space<vmem>>[vector<16xi32>, vector<16xi32>], vector<16xf32>,
        %gather3A_1015 = tpu.vector_load_idx %arg19[%add3A_249, %and3A_1013] : memref<256x128xf32, #tpu.memory_space<vmem>>[vector<16xi32>, vector<16xi32>], vector<16xf32>,
        %gather3A_1016 = tpu.vector_load_idx %arg18[%add3A_249, %and3A_1013] : memref<256x128xf32, #tpu.memory_space<vmem>>[vector<16xi32>, vector<16xi32>], vector<16xf32>,
        %mul3A_1017 = arith.mulf %gather3A_1014, %gather3A_1014 : vector<16xf32>
        %add3A_1018 = arith.addf %add3A_981, %mul3A_1017 : vector<16xf32>
        %mul3A_1019 = arith.mulf %gather3A_1015, %gather3A_1015 : vector<16xf32>
        %add3A_1020 = arith.addf %add3A_983, %mul3A_1019 : vector<16xf32>
        %mul3A_1021 = arith.mulf %gather3A_1016, %gather3A_1016 : vector<16xf32>
        %add3A_1022 = arith.addf %add3A_985, %mul3A_1021 : vector<16xf32>
        %mul3A_1023 = arith.mulf %gather3A_1014, %gather3A_1015 : vector<16xf32>
        %add3A_1024 = arith.addf %add3A_987, %mul3A_1023 : vector<16xf32>
        %mul3A_1025 = arith.mulf %gather3A_1014, %gather3A_1016 : vector<16xf32>
        %add3A_1026 = arith.addf %add3A_989, %mul3A_1025 : vector<16xf32>
        %mul3A_1027 = arith.mulf %gather3A_1015, %gather3A_1016 : vector<16xf32>
        %add3A_1028 = arith.addf %add3A_991, %mul3A_1027 : vector<16xf32>
        %gather3A_1029 = tpu.vector_load_idx %arg17[%add3A_252, %and3A_1013] : memref<256x128xf32, #tpu.memory_space<vmem>>[vector<16xi32>, vector<16xi32>], vector<16xf32>,
        %gather3A_1030 = tpu.vector_load_idx %arg19[%add3A_252, %and3A_1013] : memref<256x128xf32, #tpu.memory_space<vmem>>[vector<16xi32>, vector<16xi32>], vector<16xf32>,
        %gather3A_1031 = tpu.vector_load_idx %arg18[%add3A_252, %and3A_1013] : memref<256x128xf32, #tpu.memory_space<vmem>>[vector<16xi32>, vector<16xi32>], vector<16xf32>,
        %mul3A_1032 = arith.mulf %gather3A_1029, %gather3A_1029 : vector<16xf32>
        %add3A_1033 = arith.addf %add3A_996, %mul3A_1032 : vector<16xf32>
        %mul3A_1034 = arith.mulf %gather3A_1030, %gather3A_1030 : vector<16xf32>
        %add3A_1035 = arith.addf %add3A_998, %mul3A_1034 : vector<16xf32>
        %mul3A_1036 = arith.mulf %gather3A_1031, %gather3A_1031 : vector<16xf32>
        %add3A_1037 = arith.addf %add3A_1000, %mul3A_1036 : vector<16xf32>
        %mul3A_1038 = arith.mulf %gather3A_1029, %gather3A_1030 : vector<16xf32>
        %add3A_1039 = arith.addf %add3A_1002, %mul3A_1038 : vector<16xf32>
        %mul3A_1040 = arith.mulf %gather3A_1029, %gather3A_1031 : vector<16xf32>
        %add3A_1041 = arith.addf %add3A_1004, %mul3A_1040 : vector<16xf32>
        %mul3A_1042 = arith.mulf %gather3A_1030, %gather3A_1031 : vector<16xf32>
        %add3A_1043 = arith.addf %add3A_1006, %mul3A_1042 : vector<16xf32>
        %scan3A_1044 = arith.constant 14 : i32
        %scan3A_1045 = arith.addi %scan3A_517, %scan3A_1044 : i32
        %broadcast_in_dim3A_1046 = vector.broadcast %scan3A_1045 : i32 to vector<16xi32>
        %add3A_1047 = arith.addi %broadcast_in_dim3A_1046, %iota3A : vector<16xi32>
        %and3A_1048 = arith.constant 127 : i32
        %and3A_1049 = vector.broadcast %and3A_1048 : i32 to vector<16xi32>
        %and3A_1050 = arith.andi %add3A_1047, %and3A_1049 : vector<16xi32>
        %gather3A_1051 = tpu.vector_load_idx %arg17[%add3A_249, %and3A_1050] : memref<256x128xf32, #tpu.memory_space<vmem>>[vector<16xi32>, vector<16xi32>], vector<16xf32>,
        %gather3A_1052 = tpu.vector_load_idx %arg19[%add3A_249, %and3A_1050] : memref<256x128xf32, #tpu.memory_space<vmem>>[vector<16xi32>, vector<16xi32>], vector<16xf32>,
        %gather3A_1053 = tpu.vector_load_idx %arg18[%add3A_249, %and3A_1050] : memref<256x128xf32, #tpu.memory_space<vmem>>[vector<16xi32>, vector<16xi32>], vector<16xf32>,
        %mul3A_1054 = arith.mulf %gather3A_1051, %gather3A_1051 : vector<16xf32>
        %add3A_1055 = arith.addf %add3A_1018, %mul3A_1054 : vector<16xf32>
        %mul3A_1056 = arith.mulf %gather3A_1052, %gather3A_1052 : vector<16xf32>
        %add3A_1057 = arith.addf %add3A_1020, %mul3A_1056 : vector<16xf32>
        %mul3A_1058 = arith.mulf %gather3A_1053, %gather3A_1053 : vector<16xf32>
        %add3A_1059 = arith.addf %add3A_1022, %mul3A_1058 : vector<16xf32>
        %mul3A_1060 = arith.mulf %gather3A_1051, %gather3A_1052 : vector<16xf32>
        %add3A_1061 = arith.addf %add3A_1024, %mul3A_1060 : vector<16xf32>
        %mul3A_1062 = arith.mulf %gather3A_1051, %gather3A_1053 : vector<16xf32>
        %add3A_1063 = arith.addf %add3A_1026, %mul3A_1062 : vector<16xf32>
        %mul3A_1064 = arith.mulf %gather3A_1052, %gather3A_1053 : vector<16xf32>
        %add3A_1065 = arith.addf %add3A_1028, %mul3A_1064 : vector<16xf32>
        %gather3A_1066 = tpu.vector_load_idx %arg17[%add3A_252, %and3A_1050] : memref<256x128xf32, #tpu.memory_space<vmem>>[vector<16xi32>, vector<16xi32>], vector<16xf32>,
        %gather3A_1067 = tpu.vector_load_idx %arg19[%add3A_252, %and3A_1050] : memref<256x128xf32, #tpu.memory_space<vmem>>[vector<16xi32>, vector<16xi32>], vector<16xf32>,
        %gather3A_1068 = tpu.vector_load_idx %arg18[%add3A_252, %and3A_1050] : memref<256x128xf32, #tpu.memory_space<vmem>>[vector<16xi32>, vector<16xi32>], vector<16xf32>,
        %mul3A_1069 = arith.mulf %gather3A_1066, %gather3A_1066 : vector<16xf32>
        %add3A_1070 = arith.addf %add3A_1033, %mul3A_1069 : vector<16xf32>
        %mul3A_1071 = arith.mulf %gather3A_1067, %gather3A_1067 : vector<16xf32>
        %add3A_1072 = arith.addf %add3A_1035, %mul3A_1071 : vector<16xf32>
        %mul3A_1073 = arith.mulf %gather3A_1068, %gather3A_1068 : vector<16xf32>
        %add3A_1074 = arith.addf %add3A_1037, %mul3A_1073 : vector<16xf32>
        %mul3A_1075 = arith.mulf %gather3A_1066, %gather3A_1067 : vector<16xf32>
        %add3A_1076 = arith.addf %add3A_1039, %mul3A_1075 : vector<16xf32>
        %mul3A_1077 = arith.mulf %gather3A_1066, %gather3A_1068 : vector<16xf32>
        %add3A_1078 = arith.addf %add3A_1041, %mul3A_1077 : vector<16xf32>
        %mul3A_1079 = arith.mulf %gather3A_1067, %gather3A_1068 : vector<16xf32>
        %add3A_1080 = arith.addf %add3A_1043, %mul3A_1079 : vector<16xf32>
        %scan3A_1081 = arith.constant 15 : i32
        %scan3A_1082 = arith.addi %scan3A_517, %scan3A_1081 : i32
        %broadcast_in_dim3A_1083 = vector.broadcast %scan3A_1082 : i32 to vector<16xi32>
        %add3A_1084 = arith.addi %broadcast_in_dim3A_1083, %iota3A : vector<16xi32>
        %and3A_1085 = arith.constant 127 : i32
        %and3A_1086 = vector.broadcast %and3A_1085 : i32 to vector<16xi32>
        %and3A_1087 = arith.andi %add3A_1084, %and3A_1086 : vector<16xi32>
        %gather3A_1088 = tpu.vector_load_idx %arg17[%add3A_249, %and3A_1087] : memref<256x128xf32, #tpu.memory_space<vmem>>[vector<16xi32>, vector<16xi32>], vector<16xf32>,
        %gather3A_1089 = tpu.vector_load_idx %arg19[%add3A_249, %and3A_1087] : memref<256x128xf32, #tpu.memory_space<vmem>>[vector<16xi32>, vector<16xi32>], vector<16xf32>,
        %gather3A_1090 = tpu.vector_load_idx %arg18[%add3A_249, %and3A_1087] : memref<256x128xf32, #tpu.memory_space<vmem>>[vector<16xi32>, vector<16xi32>], vector<16xf32>,
        %mul3A_1091 = arith.mulf %gather3A_1088, %gather3A_1088 : vector<16xf32>
        %add3A_1092 = arith.addf %add3A_1055, %mul3A_1091 : vector<16xf32>
        %mul3A_1093 = arith.mulf %gather3A_1089, %gather3A_1089 : vector<16xf32>
        %add3A_1094 = arith.addf %add3A_1057, %mul3A_1093 : vector<16xf32>
        %mul3A_1095 = arith.mulf %gather3A_1090, %gather3A_1090 : vector<16xf32>
        %add3A_1096 = arith.addf %add3A_1059, %mul3A_1095 : vector<16xf32>
        %mul3A_1097 = arith.mulf %gather3A_1088, %gather3A_1089 : vector<16xf32>
        %add3A_1098 = arith.addf %add3A_1061, %mul3A_1097 : vector<16xf32>
        %mul3A_1099 = arith.mulf %gather3A_1088, %gather3A_1090 : vector<16xf32>
        %add3A_1100 = arith.addf %add3A_1063, %mul3A_1099 : vector<16xf32>
        %mul3A_1101 = arith.mulf %gather3A_1089, %gather3A_1090 : vector<16xf32>
        %add3A_1102 = arith.addf %add3A_1065, %mul3A_1101 : vector<16xf32>
        %gather3A_1103 = tpu.vector_load_idx %arg17[%add3A_252, %and3A_1087] : memref<256x128xf32, #tpu.memory_space<vmem>>[vector<16xi32>, vector<16xi32>], vector<16xf32>,
        %gather3A_1104 = tpu.vector_load_idx %arg19[%add3A_252, %and3A_1087] : memref<256x128xf32, #tpu.memory_space<vmem>>[vector<16xi32>, vector<16xi32>], vector<16xf32>,
        %gather3A_1105 = tpu.vector_load_idx %arg18[%add3A_252, %and3A_1087] : memref<256x128xf32, #tpu.memory_space<vmem>>[vector<16xi32>, vector<16xi32>], vector<16xf32>,
        %mul3A_1106 = arith.mulf %gather3A_1103, %gather3A_1103 : vector<16xf32>
        %add3A_1107 = arith.addf %add3A_1070, %mul3A_1106 : vector<16xf32>
        %mul3A_1108 = arith.mulf %gather3A_1104, %gather3A_1104 : vector<16xf32>
        %add3A_1109 = arith.addf %add3A_1072, %mul3A_1108 : vector<16xf32>
        %mul3A_1110 = arith.mulf %gather3A_1105, %gather3A_1105 : vector<16xf32>
        %add3A_1111 = arith.addf %add3A_1074, %mul3A_1110 : vector<16xf32>
        %mul3A_1112 = arith.mulf %gather3A_1103, %gather3A_1104 : vector<16xf32>
        %add3A_1113 = arith.addf %add3A_1076, %mul3A_1112 : vector<16xf32>
        %mul3A_1114 = arith.mulf %gather3A_1103, %gather3A_1105 : vector<16xf32>
        %add3A_1115 = arith.addf %add3A_1078, %mul3A_1114 : vector<16xf32>
        %mul3A_1116 = arith.mulf %gather3A_1104, %gather3A_1105 : vector<16xf32>
        %add3A_1117 = arith.addf %add3A_1080, %mul3A_1116 : vector<16xf32>
        scf.yield %add3A_1092, %add3A_1094, %add3A_1096, %add3A_1098, %add3A_1100, %add3A_1102, %add3A_1107, %add3A_1109, %add3A_1111, %add3A_1113, %add3A_1115, %add3A_1117 : vector<16xf32>, vector<16xf32>, vector<16xf32>, vector<16xf32>, vector<16xf32>, vector<16xf32>, vector<16xf32>, vector<16xf32>, vector<16xf32>, vector<16xf32>, vector<16xf32>, vector<16xf32>
      }
      %scan3A_258 = arith.constant 128 : i32
      %max3A = vector.broadcast %scan3A : f32 to vector<16xf32>
      %max3A_259 = arith.maximumf %scan3A_257#0, %max3A : vector<16xf32>
      %bitcast_convert_type3A = tpu.bitcast %max3A_259 : vector<16xf32> -> vector<16xi32>
      %shift_right_logical3A = arith.constant 1 : i32
      %shift_right_logical3A_260 = vector.broadcast %shift_right_logical3A : i32 to vector<16xi32>
      %shift_right_logical3A_261 = arith.shrui %bitcast_convert_type3A, %shift_right_logical3A_260 : vector<16xi32>
      %sub3A = arith.constant 1597463007 : i32
      %sub3A_262 = vector.broadcast %sub3A : i32 to vector<16xi32>
      %sub3A_263 = arith.subi %sub3A_262, %shift_right_logical3A_261 : vector<16xi32>
      %bitcast_convert_type3A_264 = tpu.bitcast %sub3A_263 : vector<16xi32> -> vector<16xf32>
      %mul3A_265 = arith.constant 5.000000e-01 : f32
      %mul3A_266 = vector.broadcast %mul3A_265 : f32 to vector<16xf32>
      %mul3A_267 = arith.mulf %mul3A_266, %max3A_259 : vector<16xf32>
      %mul3A_268 = arith.mulf %mul3A_267, %bitcast_convert_type3A_264 : vector<16xf32>
      %mul3A_269 = arith.mulf %mul3A_268, %bitcast_convert_type3A_264 : vector<16xf32>
      %sub3A_270 = arith.constant 1.500000e+00 : f32
      %sub3A_271 = vector.broadcast %sub3A_270 : f32 to vector<16xf32>
      %sub3A_272 = arith.subf %sub3A_271, %mul3A_269 : vector<16xf32>
      %mul3A_273 = arith.mulf %bitcast_convert_type3A_264, %sub3A_272 : vector<16xf32>
      %mul3A_274 = arith.constant 5.000000e-01 : f32
      %mul3A_275 = vector.broadcast %mul3A_274 : f32 to vector<16xf32>
      %mul3A_276 = arith.mulf %mul3A_275, %max3A_259 : vector<16xf32>
      %mul3A_277 = arith.mulf %mul3A_276, %mul3A_273 : vector<16xf32>
      %mul3A_278 = arith.mulf %mul3A_277, %mul3A_273 : vector<16xf32>
      %sub3A_279 = arith.constant 1.500000e+00 : f32
      %sub3A_280 = vector.broadcast %sub3A_279 : f32 to vector<16xf32>
      %sub3A_281 = arith.subf %sub3A_280, %mul3A_278 : vector<16xf32>
      %mul3A_282 = arith.mulf %mul3A_273, %sub3A_281 : vector<16xf32>
      %mul3A_283 = arith.constant 5.000000e-01 : f32
      %mul3A_284 = vector.broadcast %mul3A_283 : f32 to vector<16xf32>
      %mul3A_285 = arith.mulf %mul3A_284, %max3A_259 : vector<16xf32>
      %mul3A_286 = arith.mulf %mul3A_285, %mul3A_282 : vector<16xf32>
      %mul3A_287 = arith.mulf %mul3A_286, %mul3A_282 : vector<16xf32>
      %sub3A_288 = arith.constant 1.500000e+00 : f32
      %sub3A_289 = vector.broadcast %sub3A_288 : f32 to vector<16xf32>
      %sub3A_290 = arith.subf %sub3A_289, %mul3A_287 : vector<16xf32>
      %mul3A_291 = arith.mulf %mul3A_282, %sub3A_290 : vector<16xf32>
      %max3A_292 = vector.broadcast %scan3A : f32 to vector<16xf32>
      %max3A_293 = arith.maximumf %scan3A_257#2, %max3A_292 : vector<16xf32>
      %bitcast_convert_type3A_294 = tpu.bitcast %max3A_293 : vector<16xf32> -> vector<16xi32>
      %shift_right_logical3A_295 = arith.constant 1 : i32
      %shift_right_logical3A_296 = vector.broadcast %shift_right_logical3A_295 : i32 to vector<16xi32>
      %shift_right_logical3A_297 = arith.shrui %bitcast_convert_type3A_294, %shift_right_logical3A_296 : vector<16xi32>
      %sub3A_298 = arith.constant 1597463007 : i32
      %sub3A_299 = vector.broadcast %sub3A_298 : i32 to vector<16xi32>
      %sub3A_300 = arith.subi %sub3A_299, %shift_right_logical3A_297 : vector<16xi32>
      %bitcast_convert_type3A_301 = tpu.bitcast %sub3A_300 : vector<16xi32> -> vector<16xf32>
      %mul3A_302 = arith.constant 5.000000e-01 : f32
      %mul3A_303 = vector.broadcast %mul3A_302 : f32 to vector<16xf32>
      %mul3A_304 = arith.mulf %mul3A_303, %max3A_293 : vector<16xf32>
      %mul3A_305 = arith.mulf %mul3A_304, %bitcast_convert_type3A_301 : vector<16xf32>
      %mul3A_306 = arith.mulf %mul3A_305, %bitcast_convert_type3A_301 : vector<16xf32>
      %sub3A_307 = arith.constant 1.500000e+00 : f32
      %sub3A_308 = vector.broadcast %sub3A_307 : f32 to vector<16xf32>
      %sub3A_309 = arith.subf %sub3A_308, %mul3A_306 : vector<16xf32>
      %mul3A_310 = arith.mulf %bitcast_convert_type3A_301, %sub3A_309 : vector<16xf32>
      %mul3A_311 = arith.constant 5.000000e-01 : f32
      %mul3A_312 = vector.broadcast %mul3A_311 : f32 to vector<16xf32>
      %mul3A_313 = arith.mulf %mul3A_312, %max3A_293 : vector<16xf32>
      %mul3A_314 = arith.mulf %mul3A_313, %mul3A_310 : vector<16xf32>
      %mul3A_315 = arith.mulf %mul3A_314, %mul3A_310 : vector<16xf32>
      %sub3A_316 = arith.constant 1.500000e+00 : f32
      %sub3A_317 = vector.broadcast %sub3A_316 : f32 to vector<16xf32>
      %sub3A_318 = arith.subf %sub3A_317, %mul3A_315 : vector<16xf32>
      %mul3A_319 = arith.mulf %mul3A_310, %sub3A_318 : vector<16xf32>
      %mul3A_320 = arith.constant 5.000000e-01 : f32
      %mul3A_321 = vector.broadcast %mul3A_320 : f32 to vector<16xf32>
      %mul3A_322 = arith.mulf %mul3A_321, %max3A_293 : vector<16xf32>
      %mul3A_323 = arith.mulf %mul3A_322, %mul3A_319 : vector<16xf32>
      %mul3A_324 = arith.mulf %mul3A_323, %mul3A_319 : vector<16xf32>
      %sub3A_325 = arith.constant 1.500000e+00 : f32
      %sub3A_326 = vector.broadcast %sub3A_325 : f32 to vector<16xf32>
      %sub3A_327 = arith.subf %sub3A_326, %mul3A_324 : vector<16xf32>
      %mul3A_328 = arith.mulf %mul3A_319, %sub3A_327 : vector<16xf32>
      %mul3A_329 = arith.mulf %scan3A_257#0, %mul3A_291 : vector<16xf32>
      %mul3A_330 = arith.mulf %mul3A_329, %mul3A_291 : vector<16xf32>
      %add3A_331 = arith.addf %mul3A_330, %scan3A_257#1 : vector<16xf32>
      %mul3A_332 = arith.mulf %scan3A_257#2, %mul3A_328 : vector<16xf32>
      %mul3A_333 = arith.mulf %mul3A_332, %mul3A_328 : vector<16xf32>
      %add3A_334 = arith.addf %add3A_331, %mul3A_333 : vector<16xf32>
      %mul3A_335 = arith.mulf %mul3A_291, %scan3A_257#3 : vector<16xf32>
      %mul3A_336 = arith.mulf %mul3A_291, %mul3A_328 : vector<16xf32>
      %mul3A_337 = arith.mulf %mul3A_336, %scan3A_257#4 : vector<16xf32>
      %sub3A_338 = arith.subf %mul3A_335, %mul3A_337 : vector<16xf32>
      %mul3A_339 = arith.mulf %mul3A_328, %scan3A_257#5 : vector<16xf32>
      %sub3A_340 = arith.subf %sub3A_338, %mul3A_339 : vector<16xf32>
      %mul3A_341 = vector.broadcast %scan3A_218 : f32 to vector<16xf32>
      %mul3A_342 = arith.mulf %mul3A_341, %sub3A_340 : vector<16xf32>
      %add3A_343 = arith.addf %add3A_334, %mul3A_342 : vector<16xf32>
      %add3A_344 = vector.broadcast %scan3A_219 : f32 to vector<16xf32>
      %add3A_345 = arith.addf %add3A_343, %add3A_344 : vector<16xf32>
      %max3A_346 = vector.broadcast %scan3A : f32 to vector<16xf32>
      %max3A_347 = arith.maximumf %scan3A_257#6, %max3A_346 : vector<16xf32>
      %bitcast_convert_type3A_348 = tpu.bitcast %max3A_347 : vector<16xf32> -> vector<16xi32>
      %shift_right_logical3A_349 = arith.constant 1 : i32
      %shift_right_logical3A_350 = vector.broadcast %shift_right_logical3A_349 : i32 to vector<16xi32>
      %shift_right_logical3A_351 = arith.shrui %bitcast_convert_type3A_348, %shift_right_logical3A_350 : vector<16xi32>
      %sub3A_352 = arith.constant 1597463007 : i32
      %sub3A_353 = vector.broadcast %sub3A_352 : i32 to vector<16xi32>
      %sub3A_354 = arith.subi %sub3A_353, %shift_right_logical3A_351 : vector<16xi32>
      %bitcast_convert_type3A_355 = tpu.bitcast %sub3A_354 : vector<16xi32> -> vector<16xf32>
      %mul3A_356 = arith.constant 5.000000e-01 : f32
      %mul3A_357 = vector.broadcast %mul3A_356 : f32 to vector<16xf32>
      %mul3A_358 = arith.mulf %mul3A_357, %max3A_347 : vector<16xf32>
      %mul3A_359 = arith.mulf %mul3A_358, %bitcast_convert_type3A_355 : vector<16xf32>
      %mul3A_360 = arith.mulf %mul3A_359, %bitcast_convert_type3A_355 : vector<16xf32>
      %sub3A_361 = arith.constant 1.500000e+00 : f32
      %sub3A_362 = vector.broadcast %sub3A_361 : f32 to vector<16xf32>
      %sub3A_363 = arith.subf %sub3A_362, %mul3A_360 : vector<16xf32>
      %mul3A_364 = arith.mulf %bitcast_convert_type3A_355, %sub3A_363 : vector<16xf32>
      %mul3A_365 = arith.constant 5.000000e-01 : f32
      %mul3A_366 = vector.broadcast %mul3A_365 : f32 to vector<16xf32>
      %mul3A_367 = arith.mulf %mul3A_366, %max3A_347 : vector<16xf32>
      %mul3A_368 = arith.mulf %mul3A_367, %mul3A_364 : vector<16xf32>
      %mul3A_369 = arith.mulf %mul3A_368, %mul3A_364 : vector<16xf32>
      %sub3A_370 = arith.constant 1.500000e+00 : f32
      %sub3A_371 = vector.broadcast %sub3A_370 : f32 to vector<16xf32>
      %sub3A_372 = arith.subf %sub3A_371, %mul3A_369 : vector<16xf32>
      %mul3A_373 = arith.mulf %mul3A_364, %sub3A_372 : vector<16xf32>
      %mul3A_374 = arith.constant 5.000000e-01 : f32
      %mul3A_375 = vector.broadcast %mul3A_374 : f32 to vector<16xf32>
      %mul3A_376 = arith.mulf %mul3A_375, %max3A_347 : vector<16xf32>
      %mul3A_377 = arith.mulf %mul3A_376, %mul3A_373 : vector<16xf32>
      %mul3A_378 = arith.mulf %mul3A_377, %mul3A_373 : vector<16xf32>
      %sub3A_379 = arith.constant 1.500000e+00 : f32
      %sub3A_380 = vector.broadcast %sub3A_379 : f32 to vector<16xf32>
      %sub3A_381 = arith.subf %sub3A_380, %mul3A_378 : vector<16xf32>
      %mul3A_382 = arith.mulf %mul3A_373, %sub3A_381 : vector<16xf32>
      %max3A_383 = vector.broadcast %scan3A : f32 to vector<16xf32>
      %max3A_384 = arith.maximumf %scan3A_257#8, %max3A_383 : vector<16xf32>
      %bitcast_convert_type3A_385 = tpu.bitcast %max3A_384 : vector<16xf32> -> vector<16xi32>
      %shift_right_logical3A_386 = arith.constant 1 : i32
      %shift_right_logical3A_387 = vector.broadcast %shift_right_logical3A_386 : i32 to vector<16xi32>
      %shift_right_logical3A_388 = arith.shrui %bitcast_convert_type3A_385, %shift_right_logical3A_387 : vector<16xi32>
      %sub3A_389 = arith.constant 1597463007 : i32
      %sub3A_390 = vector.broadcast %sub3A_389 : i32 to vector<16xi32>
      %sub3A_391 = arith.subi %sub3A_390, %shift_right_logical3A_388 : vector<16xi32>
      %bitcast_convert_type3A_392 = tpu.bitcast %sub3A_391 : vector<16xi32> -> vector<16xf32>
      %mul3A_393 = arith.constant 5.000000e-01 : f32
      %mul3A_394 = vector.broadcast %mul3A_393 : f32 to vector<16xf32>
      %mul3A_395 = arith.mulf %mul3A_394, %max3A_384 : vector<16xf32>
      %mul3A_396 = arith.mulf %mul3A_395, %bitcast_convert_type3A_392 : vector<16xf32>
      %mul3A_397 = arith.mulf %mul3A_396, %bitcast_convert_type3A_392 : vector<16xf32>
      %sub3A_398 = arith.constant 1.500000e+00 : f32
      %sub3A_399 = vector.broadcast %sub3A_398 : f32 to vector<16xf32>
      %sub3A_400 = arith.subf %sub3A_399, %mul3A_397 : vector<16xf32>
      %mul3A_401 = arith.mulf %bitcast_convert_type3A_392, %sub3A_400 : vector<16xf32>
      %mul3A_402 = arith.constant 5.000000e-01 : f32
      %mul3A_403 = vector.broadcast %mul3A_402 : f32 to vector<16xf32>
      %mul3A_404 = arith.mulf %mul3A_403, %max3A_384 : vector<16xf32>
      %mul3A_405 = arith.mulf %mul3A_404, %mul3A_401 : vector<16xf32>
      %mul3A_406 = arith.mulf %mul3A_405, %mul3A_401 : vector<16xf32>
      %sub3A_407 = arith.constant 1.500000e+00 : f32
      %sub3A_408 = vector.broadcast %sub3A_407 : f32 to vector<16xf32>
      %sub3A_409 = arith.subf %sub3A_408, %mul3A_406 : vector<16xf32>
      %mul3A_410 = arith.mulf %mul3A_401, %sub3A_409 : vector<16xf32>
      %mul3A_411 = arith.constant 5.000000e-01 : f32
      %mul3A_412 = vector.broadcast %mul3A_411 : f32 to vector<16xf32>
      %mul3A_413 = arith.mulf %mul3A_412, %max3A_384 : vector<16xf32>
      %mul3A_414 = arith.mulf %mul3A_413, %mul3A_410 : vector<16xf32>
      %mul3A_415 = arith.mulf %mul3A_414, %mul3A_410 : vector<16xf32>
      %sub3A_416 = arith.constant 1.500000e+00 : f32
      %sub3A_417 = vector.broadcast %sub3A_416 : f32 to vector<16xf32>
      %sub3A_418 = arith.subf %sub3A_417, %mul3A_415 : vector<16xf32>
      %mul3A_419 = arith.mulf %mul3A_410, %sub3A_418 : vector<16xf32>
      %mul3A_420 = arith.mulf %scan3A_257#6, %mul3A_382 : vector<16xf32>
      %mul3A_421 = arith.mulf %mul3A_420, %mul3A_382 : vector<16xf32>
      %add3A_422 = arith.addf %mul3A_421, %scan3A_257#7 : vector<16xf32>
      %mul3A_423 = arith.mulf %scan3A_257#8, %mul3A_419 : vector<16xf32>
      %mul3A_424 = arith.mulf %mul3A_423, %mul3A_419 : vector<16xf32>
      %add3A_425 = arith.addf %add3A_422, %mul3A_424 : vector<16xf32>
      %mul3A_426 = arith.mulf %mul3A_382, %scan3A_257#9 : vector<16xf32>
      %mul3A_427 = arith.mulf %mul3A_382, %mul3A_419 : vector<16xf32>
      %mul3A_428 = arith.mulf %mul3A_427, %scan3A_257#10 : vector<16xf32>
      %sub3A_429 = arith.subf %mul3A_426, %mul3A_428 : vector<16xf32>
      %mul3A_430 = arith.mulf %mul3A_419, %scan3A_257#11 : vector<16xf32>
      %sub3A_431 = arith.subf %sub3A_429, %mul3A_430 : vector<16xf32>
      %mul3A_432 = vector.broadcast %scan3A_218 : f32 to vector<16xf32>
      %mul3A_433 = arith.mulf %mul3A_432, %sub3A_431 : vector<16xf32>
      %add3A_434 = arith.addf %add3A_425, %mul3A_433 : vector<16xf32>
      %add3A_435 = vector.broadcast %scan3A_219 : f32 to vector<16xf32>
      %add3A_436 = arith.addf %add3A_434, %add3A_435 : vector<16xf32>
      %bitcast_convert_type3A_437 = tpu.bitcast %add3A_345 : vector<16xf32> -> vector<16xi32>
      %shift_right_logical3A_438 = arith.constant 1 : i32
      %shift_right_logical3A_439 = vector.broadcast %shift_right_logical3A_438 : i32 to vector<16xi32>
      %shift_right_logical3A_440 = arith.shrui %bitcast_convert_type3A_437, %shift_right_logical3A_439 : vector<16xi32>
      %sub3A_441 = arith.constant 1597463007 : i32
      %sub3A_442 = vector.broadcast %sub3A_441 : i32 to vector<16xi32>
      %sub3A_443 = arith.subi %sub3A_442, %shift_right_logical3A_440 : vector<16xi32>
      %bitcast_convert_type3A_444 = tpu.bitcast %sub3A_443 : vector<16xi32> -> vector<16xf32>
      %mul3A_445 = arith.constant 5.000000e-01 : f32
      %mul3A_446 = vector.broadcast %mul3A_445 : f32 to vector<16xf32>
      %mul3A_447 = arith.mulf %mul3A_446, %add3A_345 : vector<16xf32>
      %mul3A_448 = arith.mulf %mul3A_447, %bitcast_convert_type3A_444 : vector<16xf32>
      %mul3A_449 = arith.mulf %mul3A_448, %bitcast_convert_type3A_444 : vector<16xf32>
      %sub3A_450 = arith.constant 1.500000e+00 : f32
      %sub3A_451 = vector.broadcast %sub3A_450 : f32 to vector<16xf32>
      %sub3A_452 = arith.subf %sub3A_451, %mul3A_449 : vector<16xf32>
      %mul3A_453 = arith.mulf %bitcast_convert_type3A_444, %sub3A_452 : vector<16xf32>
      %mul3A_454 = arith.constant 5.000000e-01 : f32
      %mul3A_455 = vector.broadcast %mul3A_454 : f32 to vector<16xf32>
      %mul3A_456 = arith.mulf %mul3A_455, %add3A_345 : vector<16xf32>
      %mul3A_457 = arith.mulf %mul3A_456, %mul3A_453 : vector<16xf32>
      %mul3A_458 = arith.mulf %mul3A_457, %mul3A_453 : vector<16xf32>
      %sub3A_459 = arith.constant 1.500000e+00 : f32
      %sub3A_460 = vector.broadcast %sub3A_459 : f32 to vector<16xf32>
      %sub3A_461 = arith.subf %sub3A_460, %mul3A_458 : vector<16xf32>
      %mul3A_462 = arith.mulf %mul3A_453, %sub3A_461 : vector<16xf32>
      %mul3A_463 = arith.constant 5.000000e-01 : f32
      %mul3A_464 = vector.broadcast %mul3A_463 : f32 to vector<16xf32>
      %mul3A_465 = arith.mulf %mul3A_464, %add3A_345 : vector<16xf32>
      %mul3A_466 = arith.mulf %mul3A_465, %mul3A_462 : vector<16xf32>
      %mul3A_467 = arith.mulf %mul3A_466, %mul3A_462 : vector<16xf32>
      %sub3A_468 = arith.constant 1.500000e+00 : f32
      %sub3A_469 = vector.broadcast %sub3A_468 : f32 to vector<16xf32>
      %sub3A_470 = arith.subf %sub3A_469, %mul3A_467 : vector<16xf32>
      %mul3A_471 = arith.mulf %mul3A_462, %sub3A_470 : vector<16xf32>
      %mul3A_472 = arith.mulf %add3A_345, %mul3A_471 : vector<16xf32>
      %bitcast_convert_type3A_473 = tpu.bitcast %add3A_436 : vector<16xf32> -> vector<16xi32>
      %shift_right_logical3A_474 = arith.constant 1 : i32
      %shift_right_logical3A_475 = vector.broadcast %shift_right_logical3A_474 : i32 to vector<16xi32>
      %shift_right_logical3A_476 = arith.shrui %bitcast_convert_type3A_473, %shift_right_logical3A_475 : vector<16xi32>
      %sub3A_477 = arith.constant 1597463007 : i32
      %sub3A_478 = vector.broadcast %sub3A_477 : i32 to vector<16xi32>
      %sub3A_479 = arith.subi %sub3A_478, %shift_right_logical3A_476 : vector<16xi32>
      %bitcast_convert_type3A_480 = tpu.bitcast %sub3A_479 : vector<16xi32> -> vector<16xf32>
      %mul3A_481 = arith.constant 5.000000e-01 : f32
      %mul3A_482 = vector.broadcast %mul3A_481 : f32 to vector<16xf32>
      %mul3A_483 = arith.mulf %mul3A_482, %add3A_436 : vector<16xf32>
      %mul3A_484 = arith.mulf %mul3A_483, %bitcast_convert_type3A_480 : vector<16xf32>
      %mul3A_485 = arith.mulf %mul3A_484, %bitcast_convert_type3A_480 : vector<16xf32>
      %sub3A_486 = arith.constant 1.500000e+00 : f32
      %sub3A_487 = vector.broadcast %sub3A_486 : f32 to vector<16xf32>
      %sub3A_488 = arith.subf %sub3A_487, %mul3A_485 : vector<16xf32>
      %mul3A_489 = arith.mulf %bitcast_convert_type3A_480, %sub3A_488 : vector<16xf32>
      %mul3A_490 = arith.constant 5.000000e-01 : f32
      %mul3A_491 = vector.broadcast %mul3A_490 : f32 to vector<16xf32>
      %mul3A_492 = arith.mulf %mul3A_491, %add3A_436 : vector<16xf32>
      %mul3A_493 = arith.mulf %mul3A_492, %mul3A_489 : vector<16xf32>
      %mul3A_494 = arith.mulf %mul3A_493, %mul3A_489 : vector<16xf32>
      %sub3A_495 = arith.constant 1.500000e+00 : f32
      %sub3A_496 = vector.broadcast %sub3A_495 : f32 to vector<16xf32>
      %sub3A_497 = arith.subf %sub3A_496, %mul3A_494 : vector<16xf32>
      %mul3A_498 = arith.mulf %mul3A_489, %sub3A_497 : vector<16xf32>
      %mul3A_499 = arith.constant 5.000000e-01 : f32
      %mul3A_500 = vector.broadcast %mul3A_499 : f32 to vector<16xf32>
      %mul3A_501 = arith.mulf %mul3A_500, %add3A_436 : vector<16xf32>
      %mul3A_502 = arith.mulf %mul3A_501, %mul3A_498 : vector<16xf32>
      %mul3A_503 = arith.mulf %mul3A_502, %mul3A_498 : vector<16xf32>
      %sub3A_504 = arith.constant 1.500000e+00 : f32
      %sub3A_505 = vector.broadcast %sub3A_504 : f32 to vector<16xf32>
      %sub3A_506 = arith.subf %sub3A_505, %mul3A_503 : vector<16xf32>
      %mul3A_507 = arith.mulf %mul3A_498, %sub3A_506 : vector<16xf32>
      %mul3A_508 = arith.mulf %add3A_436, %mul3A_507 : vector<16xf32>
      %sub3A_509 = arith.subf %mul3A_472, %mul3A_508 : vector<16xf32>
      %add3A_510 = arith.constant 1.000000e+00 : f32
      %add3A_511 = vector.broadcast %add3A_510 : f32 to vector<16xf32>
      %add3A_512 = arith.addf %sub3A_509, %add3A_511 : vector<16xf32>
      %max3A_513 = arith.constant 0.000000e+00 : f32
      %max3A_514 = vector.broadcast %max3A_513 : f32 to vector<16xf32>
      %max3A_515 = arith.maximumf %add3A_512, %max3A_514 : vector<16xf32>
      %add3A_516 = arith.addf %scan3A_228, %max3A_515 : vector<16xf32>
      scf.yield %add3A_516 : vector<16xf32>
    }
    %scan3A_225 = arith.constant 8 : i32
    %swap3A = arith.constant 0 : index
    %swap3A_226 = tpu.vector_load %arg20[%swap3A] {strides = array<i32>} : memref<16xf32, #tpu.memory_space<vmem>>, vector<16xf32>,
    tpu.vector_store %arg20[%swap3A], %scan3A_224 {strides = array<i32>} : memref<16xf32, #tpu.memory_space<vmem>>, vector<16xf32>,
    "tpu.region"() ({
      %run_scoped3A = tpu.sem_alloc : memref<!tpu.dma_semaphore, #tpu.memory_space<semaphore_mem>>
      %dma_start3A_227 = arith.constant 0 : i32
      %dma_start3A_228 = tpu.memref_slice %arg10[%add3A, %dma_start3A_227] : memref<32x16xf32, #tpu.memory_space<hbm>> -> memref<1x16xf32, #tpu.memory_space<hbm>>
      %dma_start3A_229 = tpu.memref_squeeze %dma_start3A_228 : memref<1x16xf32, #tpu.memory_space<hbm>> -> memref<16xf32, #tpu.memory_space<hbm>>
      %dma_start3A_230 = arith.constant 0 : i32
      %dma_start3A_231 = tpu.memref_slice %arg10[%add3A, %dma_start3A_230] : memref<32x16xf32, #tpu.memory_space<hbm>> -> memref<1x16xf32, #tpu.memory_space<hbm>>
      %dma_start3A_232 = tpu.memref_squeeze %dma_start3A_231 : memref<1x16xf32, #tpu.memory_space<hbm>> -> memref<16xf32, #tpu.memory_space<hbm>>
      tpu.enqueue_dma source(%arg20 : memref<16xf32, #tpu.memory_space<vmem>>) target(%dma_start3A_232 : memref<16xf32, #tpu.memory_space<hbm>>) target_semaphore(%run_scoped3A : memref<!tpu.dma_semaphore, #tpu.memory_space<semaphore_mem>>)
      %dma_wait3A_233 = arith.constant 0 : i32
      %dma_wait3A_234 = tpu.memref_slice %arg10[%add3A, %dma_wait3A_233] : memref<32x16xf32, #tpu.memory_space<hbm>> -> memref<1x16xf32, #tpu.memory_space<hbm>>
      %dma_wait3A_235 = tpu.memref_squeeze %dma_wait3A_234 : memref<1x16xf32, #tpu.memory_space<hbm>> -> memref<16xf32, #tpu.memory_space<hbm>>
      %dma_wait3A_236 = arith.constant 0 : i32
      %dma_wait3A_237 = tpu.memref_slice %arg10[%add3A, %dma_wait3A_236] : memref<32x16xf32, #tpu.memory_space<hbm>> -> memref<1x16xf32, #tpu.memory_space<hbm>>
      %dma_wait3A_238 = tpu.memref_squeeze %dma_wait3A_237 : memref<1x16xf32, #tpu.memory_space<hbm>> -> memref<16xf32, #tpu.memory_space<hbm>>
      tpu.wait_dma2 semaphore(%run_scoped3A : memref<!tpu.dma_semaphore, #tpu.memory_space<semaphore_mem>>) src(%arg20 : memref<16xf32, #tpu.memory_space<vmem>>) dst(%dma_wait3A_238 : memref<16xf32, #tpu.memory_space<hbm>>)
      tpu.yield
    }) : () -> ()
    return
  }
}

</mosaic_0001>

<sc_bundles>
// kernel: _transe_loss.3.cloned.1.call-start
scs
__scs_entry_jumppad:
0x0: {  	(pc) =	sbr.rel $0x88, $3  }
0x1: {  	(tag) =	ssettag $0x0;
	lr =	simm.s32 $0x1  }
0x2: {  	[smem:$0x3F99] =	sst lr;
	_ =	strace $0xD0000000  }
0x3: {  	_ = 	snop  }
0x4: {  	_ = 	snop  }
0x5: {  	_ = 	snop  }
0x6: {  	_ = 	snop  }
0x7: {  	_ = 	snop  }
__scs_overlays_trampoline_lowered:
0x8: {  	[smem:$0x3FA8] =	sst s0  }
0x9: {  	[smem:$0x3FA9] =	sst s1  }
0xa: {  	[smem:$0x3FAA] =	sst s2  }
0xb: {  	[smem:$0x3FAB] =	sst s3  }
0xc: {  	[smem:$0x3FAC] =	sst s4  }
0xd: {  	[smem:$0x3FAD] =	sst s5  }
0xe: {  	[smem:$0x3FAE] =	sst s6  }
0xf: {  	[smem:$0x3FAF] =	sst s7  }
0x10: {  	[smem:$0x3FB0] =	sst s8  }
0x11: {  	[smem:$0x3FB1] =	sst s9;
	s0 =	simm.s32 @!p0 $0x0  }
0x12: {  	s1 =	sld [smem:$0x3F97];
	s0 =	simm.s32 @p0 $0x1  }
0x13: {  	[smem:$0x3FB2] =	sst s0;
	s0 =	simm.s32 @!p1 $0x0  }
0x14: {  	s2 =	sld [smem:$0x3F96];
	s0 =	simm.s32 @p1 $0x1  }
0x15: {  	[smem:$0x3FB3] =	sst s0;
	s0 =	simm.s32 @!p2 $0x0  }
0x16: {  	s3 =	sld [smem:$0x3FDB];
	s0 =	simm.s32 @p2 $0x1  }
0x17: {  	s4 =	simm.s32 $0x1BF5;
	[smem:$0x3FB5] =	sst s0  }
0x18: {  	s0 =	sld [smem:$0x3F98];
	_ =	swait.ge [sflag:s4], $0x0  }
0x19: {  	s7 =	sld [smem:$0x3F99]  }
0x1a: {  	s8 =	sadd.s32 $0xFFFFE003, lr  }
0x1b: {  	s9 =	sadd.s32 $0xFFFFFEF7, lr;
	s5 =	simm.s32 $0xFFFFFFFF;
	p2 =	slt.u32 s8, $0xFFFFF086  }
0x1c: {  	p1 =	slt.u32 s9, $0xF7A;
	s5 =	simm.s32 @!p2 $0x0  }
0x1d: {  	s5 =	simm.s32 @p1 $0x1;
	p0 =	seq.s32 s7, s2  }
0x1e: {  	s7 =	smul.u32 @!p0 $0xF7A, s2;
	p2 =	seq.s32 @!p0 s5, $0x0  }
0x1f: {  	s9 =	smul.u32 $0xF7A, s1;
	s8 =	simm.s32 @!p0 $0x1BF5;
	p2 =	por !p2, p0  }
0x20: {  	[sflag:s8] =	ssyncset.s32 @!p0 $0xFFFFF086;
	s6 =	sadd.s32 @!p0 s3, s7;
	s7 =	simm.s32 @!p0 $0x108  }
0x21: {  	s3 =	sadd.s32 s3, s9;
	s6 =	sadd.s32 @!p0 $0x88, s6;
	s7 =	simm.s32 @p2 $0x1082  }
0x22: {  	[simem:s7], [sflag:s8] =	dma.local @!p0 [hbm:s6], $0xF7A  }
0x23: {  	s9 =	sor.u32 $0xD0000000, s2;
	s6 =	simm.s32 $0x108;
	_ =	swait.ge @!p0 [sflag:s8], $0x0  }
0x24: {  	s3 =	sadd.s32 $0x88, s3;
	s6 =	simm.s32 @!p1 $0x1082;
	[sflag:s4] =	ssyncset.s32 $0xFFFFF086  }
0x25: {  	[simem:s6], [sflag:s4] =	dma.local [hbm:s3], $0xF7A  }
0x26: {  	[smem:$0x3F99] =	sst s1;
	(tag) =	ssettag s2;
	_ =	strace s9  }
0x27: {  	s1 =	sld [smem:$0x3FA9]  }
0x28: {  	s2 =	sld [smem:$0x3FAA]  }
0x29: {  	s4 =	sld [smem:$0x3FAC]  }
0x2a: {  	p0 =	seq.s32 s5, $0x0;
	s5 =	sld [smem:$0x3FAD]  }
0x2b: {  	s6 =	sld [smem:$0x3FAE]  }
0x2c: {  	s7 =	sld [smem:$0x3FAF]  }
0x2d: {  	s3 =	simm.s32 $0x108;
	s8 =	sld [smem:$0x3FB0]  }
0x2e: {  	s3 =	simm.s32 @!p0 $0x1082;
	s9 =	sld [smem:$0x3FB1]  }
0x2f: {  	lr =	sadd.s32 s0, s3;
	s0 =	sld [smem:$0x3FA8]  }
0x30: {  	s3 =	sld [smem:$0x3FAB]  }
0x31: {  	[smem:$0x3FB4] =	sst s10  }
0x32: {  	s10 =	sld [smem:$0x3FB2];
	_ =	sdelay $0x3  }
0x33: {  	p0 =	seq.s32 s10, $0x1;
	s10 =	sld [smem:$0x3FB4];
	_ =	sdelay $0x3  }
0x34: {  	[smem:$0x3FB4] =	sst s10  }
0x35: {  	s10 =	sld [smem:$0x3FB3];
	_ =	sdelay $0x3  }
0x36: {  	p1 =	seq.s32 s10, $0x1;
	s10 =	sld [smem:$0x3FB4];
	_ =	sdelay $0x3  }
0x37: {  	[smem:$0x3FB4] =	sst s10  }
0x38: {  	s10 =	sld [smem:$0x3FB5]  }
0x39: {  	_ = 	snop;
	(pc) =	sbr.ind lr, $3  }
0x3a: {  	_ = 	snop  }
0x3b: {  	_ = 	snop  }
0x3c: {  	p2 =	seq.s32 s10, $0x1;
	s10 =	sld [smem:$0x3FB4]  }
0x3d: {  	_ =	shalt  }
0x3e: {  	_ =	shalt  }
0x3f: {  	_ =	shalt  }
0x40: {  	_ =	shalt  }
0x41: {  	_ =	shalt  }
0x42: {  	_ =	shalt  }
0x43: {  	_ =	shalt  }
0x44: {  	_ =	shalt  }
0x45: {  	_ =	shalt  }
0x46: {  	_ =	shalt  }
0x47: {  	_ =	shalt  }
0x48: {  	_ =	shalt  }
0x49: {  	_ =	shalt  }
0x4a: {  	_ =	shalt  }
0x4b: {  	_ =	shalt  }
0x4c: {  	_ =	shalt  }
0x4d: {  	_ =	shalt  }
0x4e: {  	_ =	shalt  }
0x4f: {  	_ =	shalt  }
0x50: {  	_ =	shalt  }
0x51: {  	_ =	shalt  }
0x52: {  	_ =	shalt  }
0x53: {  	_ =	shalt  }
0x54: {  	_ =	shalt  }
0x55: {  	_ =	shalt  }
0x56: {  	_ =	shalt  }
0x57: {  	_ =	shalt  }
0x58: {  	_ =	shalt  }
0x59: {  	_ =	shalt  }
0x5a: {  	_ =	shalt  }
0x5b: {  	_ =	shalt  }
0x5c: {  	_ =	shalt  }
0x5d: {  	_ =	shalt  }
0x5e: {  	_ =	shalt  }
0x5f: {  	_ =	shalt  }
0x60: {  	_ =	shalt  }
0x61: {  	_ =	shalt  }
0x62: {  	_ =	shalt  }
0x63: {  	_ =	shalt  }
0x64: {  	_ =	shalt  }
0x65: {  	_ =	shalt  }
0x66: {  	_ =	shalt  }
0x67: {  	_ =	shalt  }
0x68: {  	_ =	shalt  }
0x69: {  	_ =	shalt  }
0x6a: {  	_ =	shalt  }
0x6b: {  	_ =	shalt  }
0x6c: {  	_ =	shalt  }
0x6d: {  	_ =	shalt  }
0x6e: {  	_ =	shalt  }
0x6f: {  	_ =	shalt  }
0x70: {  	_ =	shalt  }
0x71: {  	_ =	shalt  }
0x72: {  	_ =	shalt  }
0x73: {  	_ =	shalt  }
0x74: {  	_ =	shalt  }
0x75: {  	_ =	shalt  }
0x76: {  	_ =	shalt  }
0x77: {  	_ =	shalt  }
0x78: {  	_ =	shalt  }
0x79: {  	_ =	shalt  }
0x7a: {  	_ =	shalt  }
0x7b: {  	_ =	shalt  }
0x7c: {  	_ =	shalt  }
0x7d: {  	_ =	shalt  }
0x7e: {  	_ =	shalt  }
0x7f: {  	_ =	shalt  }
0x80: {  	_ =	shalt  }
0x81: {  	_ =	shalt  }
0x82: {  	_ =	shalt  }
0x83: {  	_ =	shalt  }
0x84: {  	_ =	shalt  }
0x85: {  	_ =	shalt  }
0x86: {  	_ =	shalt  }
0x87: {  	_ =	shalt  }
.Lfunc_end0:
.L_simem_size_0:
called_computation_lowered:
.L_overlay_start_0:
0x88: {  	s2 =	sld [smem:$0x3FD9]  }
0x89: {  	s3 =	sld [smem:$0x3FFE];
	_ =	sdelay $0x1  }
0x8a: {  	s1 =	srdreg.scid  }
0x8b: {  	s0 =	sand.u32 $0x1, s1  }
0x8c: {  	s17 =	sshll.u32 s0, $0xA;
	s2 =	sadd.s32 s3, s2  }
0x8d: {  	s2 =	sadd.s32 s2, s17  }
0x8e: {  	[smem:$0x3FC0] =	sst s2  }
0x8f: {  	_ = 	snop  }
0x90: {  	s2 =	sld [smem:$0x3FC9]  }
0x91: {  	s18 =	sld [smem:$0x3FC8]  }
0x92: {  	s4 =	sld [smem:$0x3FC7]  }
0x93: {  	s5 =	sld [smem:$0x3FC6]  }
0x94: {  	s6 =	sld [smem:$0x3FC5]  }
0x95: {  	s7 =	sld [smem:$0x3FC4]  }
0x96: {  	s8 =	sld [smem:$0x3FC3]  }
0x97: {  	s9 =	sld [smem:$0x3FC2];
	(tm) =	ssettm $0x1  }
0x98: {  	s10 =	sld [smem:$0x3FFB];
	_ =	sdelay $0x3  }
0x99: {  	_ =	strace s10  }
0x9a: {  	s10 =	sld [smem:$0x3FFC];
	_ =	sdelay $0x3  }
0x9b: {  	_ =	strace s10  }
0x9c: {  	s10 =	sld [smem:$0x3FFD];
	_ =	sdelay $0x3  }
0x9d: {  	_ =	strace s10  }
0x9e: {  	_ =	strace $0x8FFFFFFF  }
0x9f: {  	s19 =	sld [smem:$0x3FDB];
	_ =	sdelay $0x1  }
0xa0: {  	s11 =	simm.s32 $_scs_section_size  }
0xa1: {  	s12 =	simm.s32 $_size__tile_overlayer_lowered;
	s13 =	simm.s32 $_tile_overlayer_lowered  }
0xa2: {  	s22 =	simm.s32 $0x1BFF;
	s21 =	sshll.u32 s13, $0x1;
	s10 =	sadd.s32 s11, s19  }
0xa3: {  	s14 =	simm.s32 $0x0;
	s20 =	sshll.u32 s12, $0x1;
	s12 =	sadd.s32 s21, s10  }
0xa4: {  	[timem:s14], [sflag:s22] =	dma.local [hbm:s12], s20  }
0xa5: {  	_ =	swait.ge [sflag:s22], s20  }
0xa6: {  	s11 =	ssub.s32 $0x0, s20;
	[sflag:s22] =	ssyncset.done $0x0  }
0xa7: {  	[sflag:s22] =	ssyncadd.s32 s11;
	_ =	sdelay $0x1  }
0xa8: {  	s23 =	simm.s32 $0x1B8B  }
0xa9: {  	_ =	swait.ge [sflag:s23], $0x1  }
0xaa: {  	[sflag:s23] =	ssyncset.done $0x0  }
0xab: {  	s25 =	simm.s32 $0x1B8E;
	s24 =	sld [smem:$0x3FFE];
	[sflag:s23] =	ssyncadd.s32 $0xFFFFFFFF  }
0xac: {  	s26 =	simm.s32 $execute0_lowered;
	[smem:$0x3FD2] =	sst s25  }
0xad: {  	s12 =	sshll.u32 s26, $0x1;
	_ =	strace $0x80000046;
	[dreg:$0x1] =	wrdreg $0xFFFFFFFF  }
0xae: {  	s28 =	simm.s32 $_size_execute0_lowered;
	s10 =	sadd.s32 s10, s12;
	[dreg:$0x0] =	wrdreg $0x0  }
0xaf: {  	s12 =	sshll.u32 s28, $0x1;
	[dreg:$0x2] =	wrdreg s10  }
0xb0: {  	[dreg:$0x3] =	wrdreg s12  }
0xb1: {  	[dreg:$0x4] =	wrdreg $0xC0  }
0xb2: {  	_ =	task [dreg:s14], $0x5FFFF  }
0xb3: {  	[dreg:$0x1] =	wrdreg $0xFFFFFFFF  }
0xb4: {  	[dreg:$0x0] =	wrdreg $0x60  }
0xb5: {  	[dreg:$0x2] =	wrdreg s2  }
0xb6: {  	[dreg:$0x3] =	wrdreg s18  }
0xb7: {  	[dreg:$0x4] =	wrdreg s4  }
0xb8: {  	[dreg:$0x5] =	wrdreg s5  }
0xb9: {  	[dreg:$0x6] =	wrdreg s6  }
0xba: {  	[dreg:$0x7] =	wrdreg s7  }
0xbb: {  	[dreg:$0x8] =	wrdreg s8  }
0xbc: {  	[dreg:$0x9] =	wrdreg s9  }
0xbd: {  	[dreg:$0xa] =	wrdreg s24  }
0xbe: {  	[dreg:$0xb] =	wrdreg $0x9  }
0xbf: {  	_ =	task.clear_ibuf [dreg:s14], $0xCFFFF;
	_ =	strace $0x90000046  }
0xc0: {  	s29 =	simm.s32 $0x9;
	_ =	strace $0x80000048  }
0xc1: {  	_ =	swait.ge [sflag:s29], $0x1  }
0xc2: {  	[sflag:s29] =	ssyncadd.s32 $0xFFFFFFFF  }
0xc3: {  	_ =	strace $0x90000048  }
0xc4: {  	_ =	sfence  }
0xc5: {  	s30 =	sld [smem:$0x0];
	_ =	sdelay $0x2  }
0xc6: {  	s31 =	sshll.u32 s1, $0xD;
	s1 =	sshrl.u32 s1, $0x2  }
0xc7: {  	s3 =	sand.u32 $0x4000, s31;
	s1 =	sadd.s32 s1, s30  }
0xc8: {  	s0 =	sor.u32 s3, s0;
	s1 =	sshll.u32 s1, $0x11  }
0xc9: {  	s0 =	sor.u32 s1, s0  }
0xca: {  	s0 =	sadd.s32 $0x8F2B, s0  }
0xcb: {  	[sflag:s0] =	ssyncadd.remote.s32 $0x1  }
0xcc: {  	_ =	sfence.sel $0xFFFF  }
0xcd: {  	[dreg:$0x0] =	wrdreg $0xFFFFFFFF;
	(pc) =	sbr.abs _section_cstart, $3  }
0xce: {  	[dreg:$0x1] =	wrdreg $0xFFFFFFFF  }
0xcf: {  	_ =	task.clear_ibuf [dreg:s14], $0x2FFFF;
	_ =	strace $0x9FFFFFFF  }
0xd0: {  	(tm) =	ssettm $0x7FFFFFFF  }
0xd1: {  	_ =	shalt  }
tec
execute0_lowered:
.L_overlay_start_1:
0x0: {  	(tag) =	ssettag $0x1  }
0x1: {  	s0 =	rddreg [dreg:$0x0]  }
0x2: {  	s1 =	rddreg [dreg:$0x1]  }
0x3: {  	s2 =	rddreg [dreg:$0x2]  }
0x4: {  	s3 =	rddreg [dreg:$0x3]  }
0x5: {  	s7 =	rddreg [dreg:$0x4]  }
0x6: {  	s8 =	rddreg [dreg:$0x5]  }
0x7: {  	s9 =	rddreg [dreg:$0x6]  }
0x8: {  	s10 =	rddreg [dreg:$0x7]  }
0x9: {  	s11 =	rddreg [dreg:$0x8];
	s4 =	simm.s32 $0x0  }
0xa: {  	s5 =	srdreg.scid;
	s12 =	stileid.u32;
	s14 =	simm.s32 $0x100  }
0xb: {  	s15 =	simm.s32 $0x180;
	s16 =	simm.s32 $0x200;
	s17 =	simm.s32 $0x280  }
0xc: {  	s18 =	simm.s32 $0x1;
	s19 =	simm.s32 $0x10;
	s20 =	simm.s32 $0x300  }
0xd: {  	s21 =	simm.s32 $0x8300;
	s22 =	simm.s32 $0x10300;
	s28 =	simm.s32 $0x20  }
0xe: {  	s31 =	simm.s32 $0x40;
	s23 =	simm.s32 $0x16300;
	s24 =	simm.s32 $0x18300  }
0xf: {  	s25 =	simm.s32 $0x6;
	s26 =	simm.s32 $0x0;
	s5 =	sand.u32 $0x1, s5  }
0x10: {  	s12 =	sshll.u32 s12, $0x5;
	s6 =	ssub.s32 $0x2, s5;
	s5 =	sshll.u32 s5, $0x4  }
0x11: {  	[smem:$0x7FF] =	sst s4;
	s13 =	sshrl.u32 s6, $0x1;
	s12 =	sor.u32 s5, s12  }
0x12: {  	v0 =	vlaneseq.u32;
	_ =	strace $0x80000047;
	s13 =	ssub.s32 s6, s13;
	s5 =	sadd.s32 s2, s12  }
0x13: {  	v1 =	vmul.u32 $0x80, v0;
	s6 =	sadd.s32 s3, s12;
	s7 =	sadd.s32 s7, s12;
	s8 =	sadd.s32 s8, s12  }
0x14: {  	s9 =	sadd.s32 s9, s12;
	s10 =	sadd.s32 s10, s12;
	s11 =	sadd.s32 s11, s12  }
0x15: {  	v2 =	vor.u32 $0x4000, v1;
	s3 =	simm.s32 $0x240;
	s12 =	smax.u32 s13, $0x1;
	s13 =	simm.s32 $0x80  }
.LBB2_1:
0x16: {  	[tilespmem:s4], [sflag:$0x1] =	stream.linear.gather [hbm4b:s5+s4], $0x80, $0x38;
	[tilespmem:$0x18380] =	vst v63  }
0x17: {  	_ = 	snop  }
0x18: {  	[tilespmem:s13], [sflag:$0x1] =	stream.linear.gather [hbm4b:s6+s4], $0x80, $0x38;
	[tilespmem:$0x18380] =	vst v63  }
0x19: {  	_ = 	snop  }
0x1a: {  	[tilespmem:s14], [sflag:$0x1] =	stream.linear.gather [hbm4b:s7+s4], $0x80, $0x38;
	[tilespmem:$0x18380] =	vst v63  }
0x1b: {  	_ = 	snop  }
0x1c: {  	[tilespmem:s15], [sflag:$0x1] =	stream.linear.gather [hbm4b:s8+s4], $0x80, $0x38;
	[tilespmem:$0x18380] =	vst v63  }
0x1d: {  	_ = 	snop  }
0x1e: {  	[tilespmem:s16], [sflag:$0x1] =	stream.linear.gather [hbm4b:s9+s4], $0x80, $0x38;
	[tilespmem:$0x18380] =	vst v63  }
0x1f: {  	_ = 	snop  }
0x20: {  	[tilespmem:s17], [sflag:$0x1] =	stream.linear.gather [hbm4b:s10+s4], $0x80, $0x38;
	[tilespmem:$0x18380] =	vst v63  }
0x21: {  	_ =	swait.ge [sflag:s18], $0x80  }
0x22: {  	[sflag:s18] =	ssyncset.done $0x0  }
0x23: {  	[sflag:s18] =	ssyncadd.s32 $0xFFFFFF80  }
0x24: {  	_ =	swait.ge [sflag:s18], $0x80  }
0x25: {  	[sflag:s18] =	ssyncset.done $0x0  }
0x26: {  	[sflag:s18] =	ssyncadd.s32 $0xFFFFFF80  }
0x27: {  	_ =	swait.ge [sflag:s18], $0x80  }
0x28: {  	[sflag:s18] =	ssyncset.done $0x0  }
0x29: {  	[sflag:s18] =	ssyncadd.s32 $0xFFFFFF80  }
0x2a: {  	_ =	swait.ge [sflag:s18], $0x80  }
0x2b: {  	[sflag:s18] =	ssyncset.done $0x0  }
0x2c: {  	[sflag:s18] =	ssyncadd.s32 $0xFFFFFF80  }
0x2d: {  	_ =	swait.ge [sflag:s18], $0x80  }
0x2e: {  	[sflag:s18] =	ssyncset.done $0x0  }
0x2f: {  	[sflag:s18] =	ssyncadd.s32 $0xFFFFFF80  }
0x30: {  	_ =	swait.ge [sflag:s18], $0x80  }
0x31: {  	[sflag:s18] =	ssyncset.done $0x0  }
0x32: {  	[sflag:s18] =	ssyncadd.s32 $0xFFFFFF80  }
0x33: {  	[tilespmem:s20], [sflag:$0x2] =	stream.indirect.gather [hbm4b:s0+s19], $0x80, s4, s19, $0xb8;
	[tilespmem:$0x18380] =	vst v63  }
0x34: {  	_ = 	snop  }
0x35: {  	[tilespmem:s21], [sflag:$0x2] =	stream.indirect.gather [hbm4b:s0+s19], $0x80, s14, s19, $0xb8;
	[tilespmem:$0x18380] =	vst v63  }
0x36: {  	_ = 	snop  }
0x37: {  	[tilespmem:s22], [sflag:$0x2] =	stream.indirect.gather [hbm4b:s1+s19], $0x80, s13, s19, $0xb8;
	[tilespmem:$0x18380] =	vst v63  }
0x38: {  	s2 =	simm.s32 $0x4300  }
0x39: {  	[tilespmem:s2], [sflag:$0x2] =	stream.indirect.gather [hbm4b:s0+s19], $0x80, s15, s19, $0xb8;
	[tilespmem:$0x18380] =	vst v63  }
0x3a: {  	s30 =	simm.s32 $0xC300  }
0x3b: {  	[tilespmem:s30], [sflag:$0x2] =	stream.indirect.gather [hbm4b:s0+s19], $0x80, s17, s19, $0xb8;
	[tilespmem:$0x18380] =	vst v63  }
0x3c: {  	s30 =	simm.s32 $0x14300  }
0x3d: {  	[tilespmem:s30], [sflag:$0x2] =	stream.indirect.gather [hbm4b:s1+s19], $0x80, s16, s19, $0xb8;
	[tilespmem:$0x18380] =	vst v63  }
0x3e: {  	s30 =	simm.s32 $0xB00  }
0x3f: {  	[tilespmem:s30], [sflag:$0x3] =	stream.indirect.gather [hbm4b:s0+s19], $0x80, s19, s19, $0xb8;
	[tilespmem:$0x18380] =	vst v63  }
0x40: {  	s29 =	simm.s32 $0x8B00;
	s30 =	simm.s32 $0x110  }
0x41: {  	[tilespmem:s29], [sflag:$0x3] =	stream.indirect.gather [hbm4b:s0+s19], $0x80, s30, s19, $0xb8;
	[tilespmem:$0x18380] =	vst v63  }
0x42: {  	s30 =	simm.s32 $0x90;
	s29 =	simm.s32 $0x10B00  }
0x43: {  	[tilespmem:s29], [sflag:$0x3] =	stream.indirect.gather [hbm4b:s1+s19], $0x80, s30, s19, $0xb8;
	[tilespmem:$0x18380] =	vst v63  }
0x44: {  	s30 =	simm.s32 $0x190;
	s29 =	simm.s32 $0x4B00  }
0x45: {  	[tilespmem:s29], [sflag:$0x3] =	stream.indirect.gather [hbm4b:s0+s19], $0x80, s30, s19, $0xb8;
	[tilespmem:$0x18380] =	vst v63  }
0x46: {  	s30 =	simm.s32 $0x290;
	s29 =	simm.s32 $0xCB00  }
0x47: {  	[tilespmem:s29], [sflag:$0x3] =	stream.indirect.gather [hbm4b:s0+s19], $0x80, s30, s19, $0xb8;
	[tilespmem:$0x18380] =	vst v63  }
0x48: {  	s30 =	simm.s32 $0x210;
	s29 =	simm.s32 $0x14B00  }
0x49: {  	[tilespmem:s29], [sflag:$0x3] =	stream.indirect.gather [hbm4b:s1+s19], $0x80, s30, s19, $0xb8;
	[tilespmem:$0x18380] =	vst v63  }
0x4a: {  	s30 =	simm.s32 $0x1300  }
0x4b: {  	[tilespmem:s30], [sflag:$0x4] =	stream.indirect.gather [hbm4b:s0+s28], $0x80, s28, s28, $0xb8;
	[tilespmem:$0x18380] =	vst v63  }
0x4c: {  	s29 =	simm.s32 $0x9300;
	s30 =	simm.s32 $0x120  }
0x4d: {  	[tilespmem:s29], [sflag:$0x4] =	stream.indirect.gather [hbm4b:s0+s28], $0x80, s30, s28, $0xb8;
	[tilespmem:$0x18380] =	vst v63  }
0x4e: {  	s30 =	simm.s32 $0xA0;
	s29 =	simm.s32 $0x11300  }
0x4f: {  	[tilespmem:s29], [sflag:$0x4] =	stream.indirect.gather [hbm4b:s1+s28], $0x80, s30, s28, $0xb8;
	[tilespmem:$0x18380] =	vst v63  }
0x50: {  	s30 =	simm.s32 $0x1A0;
	s29 =	simm.s32 $0x5300  }
0x51: {  	[tilespmem:s29], [sflag:$0x4] =	stream.indirect.gather [hbm4b:s0+s28], $0x80, s30, s28, $0xb8;
	[tilespmem:$0x18380] =	vst v63  }
0x52: {  	s30 =	simm.s32 $0x2A0;
	s29 =	simm.s32 $0xD300  }
0x53: {  	[tilespmem:s29], [sflag:$0x4] =	stream.indirect.gather [hbm4b:s0+s28], $0x80, s30, s28, $0xb8;
	[tilespmem:$0x18380] =	vst v63  }
0x54: {  	s30 =	simm.s32 $0x220;
	s29 =	simm.s32 $0x15300  }
0x55: {  	[tilespmem:s29], [sflag:$0x4] =	stream.indirect.gather [hbm4b:s1+s28], $0x80, s30, s28, $0xb8;
	[tilespmem:$0x18380] =	vst v63  }
0x56: {  	s30 =	simm.s32 $0x2300  }
0x57: {  	[tilespmem:s30], [sflag:$0x5] =	stream.indirect.gather [hbm4b:s0+s31], $0x80, s31, s31, $0xb8;
	[tilespmem:$0x18380] =	vst v63  }
0x58: {  	s29 =	simm.s32 $0xA300;
	s30 =	simm.s32 $0x140  }
0x59: {  	[tilespmem:s29], [sflag:$0x5] =	stream.indirect.gather [hbm4b:s0+s31], $0x80, s30, s31, $0xb8;
	[tilespmem:$0x18380] =	vst v63  }
0x5a: {  	s30 =	simm.s32 $0xC0;
	s29 =	simm.s32 $0x12300  }
0x5b: {  	[tilespmem:s29], [sflag:$0x5] =	stream.indirect.gather [hbm4b:s1+s31], $0x80, s30, s31, $0xb8;
	[tilespmem:$0x18380] =	vst v63  }
0x5c: {  	s30 =	simm.s32 $0x1C0;
	s29 =	simm.s32 $0x6300  }
0x5d: {  	[tilespmem:s29], [sflag:$0x5] =	stream.indirect.gather [hbm4b:s0+s31], $0x80, s30, s31, $0xb8;
	[tilespmem:$0x18380] =	vst v63  }
0x5e: {  	s30 =	simm.s32 $0x2C0;
	s29 =	simm.s32 $0xE300  }
0x5f: {  	[tilespmem:s29], [sflag:$0x5] =	stream.indirect.gather [hbm4b:s0+s31], $0x80, s30, s31, $0xb8;
	[tilespmem:$0x18380] =	vst v63  }
0x60: {  	s29 =	simm.s32 $0x0  }
0x61: {  	v3 =	vimm.f32 $0.0e+00;
	[tilespmem:s23], [sflag:$0x5] =	stream.indirect.gather [hbm4b:s1+s31], $0x80, s3, s31, $0xb8;
	[tilespmem:$0x18380] =	vst v63  }
.LBB2_2:
0x62: {  	p0 =	sgt.s32 s29, $0x1  }
0x63: {  	p2 =	seq.s32 @p0 s29, $0x2  }
0x64: {  	p1 =	por !p2, !p0  }
0x65: {  	s30 =	simm.s32 @!p1 $0x4  }
0x66: {  	_ =	swait.ge @!p1 [sflag:s30], $0x1000  }
0x67: {  	[sflag:s30] =	ssyncset.done @!p1 $0x0  }
0x68: {  	[sflag:s30] =	ssyncadd.s32 @!p1 $0xFFFFF000  }
0x69: {  	_ =	swait.ge @!p1 [sflag:s30], $0x1000  }
0x6a: {  	[sflag:s30] =	ssyncset.done @!p1 $0x0  }
0x6b: {  	[sflag:s30] =	ssyncadd.s32 @!p1 $0xFFFFF000  }
0x6c: {  	_ =	swait.ge @!p1 [sflag:s30], $0x1000  }
0x6d: {  	[sflag:s30] =	ssyncset.done @!p1 $0x0  }
0x6e: {  	[sflag:s30] =	ssyncadd.s32 @!p1 $0xFFFFF000  }
0x6f: {  	_ =	swait.ge @!p1 [sflag:s30], $0x1000  }
0x70: {  	[sflag:s30] =	ssyncset.done @!p1 $0x0  }
0x71: {  	[sflag:s30] =	ssyncadd.s32 @!p1 $0xFFFFF000  }
0x72: {  	_ =	swait.ge @!p1 [sflag:s30], $0x1000  }
0x73: {  	p3 =	por p2, !p0;
	[sflag:s30] =	ssyncset.done @!p1 $0x0  }
0x74: {  	p3 =	seq.s32 @!p3 s29, $0x4;
	[sflag:s30] =	ssyncadd.s32 @!p1 $0xFFFFF000  }
0x75: {  	p2 =	por @p0 !p3, p2;
	_ =	swait.ge @!p1 [sflag:s30], $0x1000  }
0x76: {  	p3 =	por p2, !p0;
	[sflag:s30] =	ssyncset.done @!p1 $0x0  }
0x77: {  	[sflag:s30] =	ssyncadd.s32 @!p1 $0xFFFFF000;
	s30 =	simm.s32 @!p3 $0x5  }
0x78: {  	_ =	swait.ge @!p3 [sflag:s30], $0x2000  }
0x79: {  	[sflag:s30] =	ssyncset.done @!p3 $0x0  }
0x7a: {  	[sflag:s30] =	ssyncadd.s32 @!p3 $0xFFFFE000  }
0x7b: {  	_ =	swait.ge @!p3 [sflag:s30], $0x2000  }
0x7c: {  	[sflag:s30] =	ssyncset.done @!p3 $0x0  }
0x7d: {  	[sflag:s30] =	ssyncadd.s32 @!p3 $0xFFFFE000  }
0x7e: {  	_ =	swait.ge @!p3 [sflag:s30], $0x2000  }
0x7f: {  	[sflag:s30] =	ssyncset.done @!p3 $0x0  }
0x80: {  	[sflag:s30] =	ssyncadd.s32 @!p3 $0xFFFFE000  }
0x81: {  	_ =	swait.ge @!p3 [sflag:s30], $0x2000  }
0x82: {  	[sflag:s30] =	ssyncset.done @!p3 $0x0  }
0x83: {  	[sflag:s30] =	ssyncadd.s32 @!p3 $0xFFFFE000  }
0x84: {  	_ =	swait.ge @!p3 [sflag:s30], $0x2000  }
0x85: {  	[sflag:s30] =	ssyncset.done @!p3 $0x0  }
0x86: {  	[sflag:s30] =	ssyncadd.s32 @!p3 $0xFFFFE000  }
0x87: {  	p2 =	seq.s32 @!p0 s29, $0x0;
	_ =	swait.ge @!p3 [sflag:s30], $0x2000  }
0x88: {  	p1 =	por !p2, p0;
	[sflag:s30] =	ssyncset.done @!p3 $0x0  }
0x89: {  	[sflag:s30] =	ssyncadd.s32 @!p3 $0xFFFFE000;
	s30 =	simm.s32 @!p1 $0x2  }
0x8a: {  	_ =	swait.ge @!p1 [sflag:s30], $0x800  }
0x8b: {  	[sflag:s30] =	ssyncset.done @!p1 $0x0  }
0x8c: {  	[sflag:s30] =	ssyncadd.s32 @!p1 $0xFFFFF800  }
0x8d: {  	_ =	swait.ge @!p1 [sflag:s30], $0x800  }
0x8e: {  	[sflag:s30] =	ssyncset.done @!p1 $0x0  }
0x8f: {  	[sflag:s30] =	ssyncadd.s32 @!p1 $0xFFFFF800  }
0x90: {  	_ =	swait.ge @!p1 [sflag:s30], $0x800  }
0x91: {  	[sflag:s30] =	ssyncset.done @!p1 $0x0  }
0x92: {  	[sflag:s30] =	ssyncadd.s32 @!p1 $0xFFFFF800  }
0x93: {  	_ =	swait.ge @!p1 [sflag:s30], $0x800  }
0x94: {  	[sflag:s30] =	ssyncset.done @!p1 $0x0  }
0x95: {  	[sflag:s30] =	ssyncadd.s32 @!p1 $0xFFFFF800  }
0x96: {  	_ =	swait.ge @!p1 [sflag:s30], $0x800  }
0x97: {  	p3 =	por p2, p0;
	[sflag:s30] =	ssyncset.done @!p1 $0x0  }
0x98: {  	p3 =	seq.s32 @!p3 s29, $0x1;
	[sflag:s30] =	ssyncadd.s32 @!p1 $0xFFFFF800  }
0x99: {  	p2 =	por @!p0 !p3, p2;
	_ =	swait.ge @!p1 [sflag:s30], $0x800  }
0x9a: {  	p0 =	por p2, p0;
	[sflag:s30] =	ssyncset.done @!p1 $0x0  }
0x9b: {  	[sflag:s30] =	ssyncadd.s32 @!p1 $0xFFFFF800;
	s30 =	simm.s32 @!p0 $0x3  }
0x9c: {  	_ =	swait.ge @!p0 [sflag:s30], $0x800  }
0x9d: {  	[sflag:s30] =	ssyncset.done @!p0 $0x0  }
0x9e: {  	[sflag:s30] =	ssyncadd.s32 @!p0 $0xFFFFF800  }
0x9f: {  	_ =	swait.ge @!p0 [sflag:s30], $0x800  }
0xa0: {  	[sflag:s30] =	ssyncset.done @!p0 $0x0  }
0xa1: {  	[sflag:s30] =	ssyncadd.s32 @!p0 $0xFFFFF800  }
0xa2: {  	_ =	swait.ge @!p0 [sflag:s30], $0x800  }
0xa3: {  	[sflag:s30] =	ssyncset.done @!p0 $0x0  }
0xa4: {  	[sflag:s30] =	ssyncadd.s32 @!p0 $0xFFFFF800  }
0xa5: {  	_ =	swait.ge @!p0 [sflag:s30], $0x800  }
0xa6: {  	[sflag:s30] =	ssyncset.done @!p0 $0x0  }
0xa7: {  	[sflag:s30] =	ssyncadd.s32 @!p0 $0xFFFFF800  }
0xa8: {  	v8 =	vimm.f32 $0.0e+00;
	v9 =	vimm.f32 $0.0e+00;
	v11 =	vimm.f32 $0.0e+00;
	_ =	swait.ge @!p0 [sflag:s30], $0x800  }
0xa9: {  	s2 =	sshll.u32 s29, $0x4;
	v12 =	vimm.f32 $0.0e+00;
	v10 =	vimm.f32 $0.0e+00;
	v13 =	vimm.f32 $0.0e+00;
	[sflag:s30] =	ssyncset.done @!p0 $0x0  }
0xaa: {  	v14 =	vimm.f32 $0.0e+00;
	v16 =	vimm.f32 $0.0e+00;
	v4 =	vmov s2;
	[sflag:s30] =	ssyncadd.s32 @!p0 $0xFFFFF800  }
0xab: {  	v17 =	vimm.f32 $0.0e+00;
	v18 =	vimm.f32 $0.0e+00;
	v5 =	vshll.u32 v4, $0x7;
	_ =	swait.ge @!p0 [sflag:s30], $0x800  }
0xac: {  	v15 =	vimm.f32 $0.0e+00;
	v4 =	vor.u32 v1, v5;
	v5 =	vor.u32 v2, v5;
	[sflag:s30] =	ssyncset.done @!p0 $0x0  }
0xad: {  	v19 =	vimm.f32 $0.0e+00;
	v6 =	vor.u32 v0, v4;
	v7 =	vor.u32 v0, v5;
	[sflag:s30] =	ssyncadd.s32 @!p0 $0xFFFFF800;
	s30 =	simm.s32 $0x0  }
.LBB2_3:
0xae: {  	v20 =	vor.u32 s30, v6;
	_ =	sdelay $0x2  }
0xaf: {  	v22 =	vor.u32 s30, v7;
	s2 =	sadd.s32 $0x1, s30  }
0xb0: {  	v24 =	vadd.s32 s2, v0  }
0xb1: {  	v24 =	vand.u32 $0x7F, v24;
	v21 =	vld.idx.msk [tilespmem:v20+s20+$0x0], $0xffff  }
0xb2: {  	v26 =	vor.u32 v4, v24;
	v23 =	vld.idx.msk [tilespmem:v20+s22+$0x0], $0xffff  }
0xb3: {  	v20 =	vld.idx.msk [tilespmem:v20+s21+$0x0], $0xffff  }
0xb4: {  	v25 =	vld.idx.msk [tilespmem:v22+s20+$0x0], $0xffff  }
0xb5: {  	v28 =	vld.idx.msk [tilespmem:v22+s22+$0x0], $0xffff  }
0xb6: {  	s2 =	sadd.s32 $0x2, s30;
	v22 =	vld.idx.msk [tilespmem:v22+s21+$0x0], $0xffff  }
0xb7: {  	v54 =	vadd.s32 s2, v0;
	s2 =	sadd.s32 $0x3, s30;
	v49 =	vld.idx.msk [tilespmem:v26+s20+$0x0], $0xffff  }
0xb8: {  	v24 =	vor.u32 v5, v24;
	v32 =	vadd.s32 s2, v0;
	v52 =	vld.idx.msk [tilespmem:v26+s22+$0x0], $0xffff  }
0xb9: {  	v53 =	vld.idx.msk [tilespmem:v26+s21+$0x0], $0xffff;
	v26 =	vand.u32 $0x7F, v54;
	v27 =	vmul.f32 v21, v21;
	v29 =	vmul.f32 v23, v23  }
0xba: {  	v56 =	vor.u32 v4, v26;
	v30 =	vmul.f32 v20, v20;
	v48 =	vmul.f32 v23, v21  }
0xbb: {  	v26 =	vor.u32 v5, v26;
	v21 =	vmul.f32 v20, v21;
	v20 =	vmul.f32 v20, v23  }
0xbc: {  	v50 =	vmul.f32 v25, v25;
	v19 =	vadd.f32 v27, v19;
	v15 =	vadd.f32 v29, v15  }
0xbd: {  	v55 =	vld.idx.msk [tilespmem:v24+s20+$0x0], $0xffff;
	v18 =	vadd.f32 v30, v18;
	v14 =	vadd.f32 v20, v14;
	v20 =	vmul.f32 v22, v22  }
0xbe: {  	v31 =	vld.idx.msk [tilespmem:v24+s22+$0x0], $0xffff;
	v51 =	vmul.f32 v28, v28;
	v17 =	vadd.f32 v48, v17;
	v16 =	vadd.f32 v21, v16  }
0xbf: {  	v57 =	vmul.f32 v52, v52;
	v12 =	vadd.f32 v20, v12;
	v20 =	vmul.f32 v28, v25  }
0xc0: {  	v13 =	vadd.f32 v50, v13;
	v58 =	vmul.f32 v53, v53;
	v59 =	vmul.f32 v52, v49  }
0xc1: {  	v23 =	vmul.f32 v53, v49;
	v11 =	vadd.f32 v20, v11;
	v20 =	vmul.f32 v49, v49  }
0xc2: {  	v10 =	vadd.f32 v51, v10;
	v21 =	vmul.f32 v53, v52;
	v60 =	vmul.f32 v55, v55  }
0xc3: {  	v62 =	vmul.f32 v31, v31;
	v15 =	vadd.f32 v57, v15;
	v19 =	vadd.f32 v20, v19;
	v20 =	vld.idx.msk [tilespmem:v24+s21+$0x0], $0xffff  }
0xc4: {  	v25 =	vmul.f32 v22, v25;
	v61 =	vld.idx.msk [tilespmem:v56+s20+$0x0], $0xffff;
	v18 =	vadd.f32 v58, v18;
	v17 =	vadd.f32 v59, v17  }
0xc5: {  	v22 =	vmul.f32 v22, v28;
	v63 =	vld.idx.msk [tilespmem:v56+s22+$0x0], $0xffff;
	v16 =	vadd.f32 v23, v16;
	v14 =	vadd.f32 v21, v14  }
0xc6: {  	v35 =	vmul.f32 v31, v55;
	v34 =	vld.idx.msk [tilespmem:v56+s21+$0x0], $0xffff;
	v13 =	vadd.f32 v60, v13;
	v10 =	vadd.f32 v62, v10  }
0xc7: {  	v21 =	vand.u32 $0x7F, v32;
	v9 =	vadd.f32 v25, v9;
	v8 =	vadd.f32 v22, v8  }
0xc8: {  	s2 =	sadd.s32 $0x4, s30;
	v38 =	vld.idx.msk [tilespmem:v26+s20+$0x0], $0xffff;
	v36 =	vor.u32 v4, v21;
	v21 =	vor.u32 v5, v21;
	v33 =	vmul.f32 v20, v20  }
0xc9: {  	v40 =	vld.idx.msk [tilespmem:v26+s22+$0x0], $0xffff;
	v49 =	vadd.s32 s2, v0;
	v27 =	vmul.f32 v20, v55;
	v20 =	vmul.f32 v20, v31  }
0xca: {  	v11 =	vadd.f32 v35, v11;
	v37 =	vmul.f32 v61, v61;
	v39 =	vmul.f32 v63, v63  }
0xcb: {  	v41 =	vmul.f32 v34, v34;
	v42 =	vmul.f32 v63, v61;
	v8 =	vadd.f32 v20, v8;
	v20 =	vld.idx.msk [tilespmem:v26+s21+$0x0], $0xffff  }
0xcc: {  	v25 =	vmul.f32 v34, v61;
	v23 =	vmul.f32 v34, v63;
	v19 =	vadd.f32 v37, v19  }
0xcd: {  	v44 =	vmul.f32 v38, v38;
	v15 =	vadd.f32 v39, v15;
	v43 =	vld.idx.msk [tilespmem:v36+s20+$0x0], $0xffff;
	v18 =	vadd.f32 v41, v18  }
0xce: {  	v46 =	vmul.f32 v40, v40;
	v17 =	vadd.f32 v42, v17;
	v45 =	vld.idx.msk [tilespmem:v36+s22+$0x0], $0xffff;
	v16 =	vadd.f32 v25, v16  }
0xcf: {  	v50 =	vmul.f32 v40, v38;
	v14 =	vadd.f32 v23, v14;
	v47 =	vld.idx.msk [tilespmem:v36+s21+$0x0], $0xffff;
	v13 =	vadd.f32 v44, v13  }
0xd0: {  	v52 =	vld.idx.msk [tilespmem:v21+s20+$0x0], $0xffff;
	v9 =	vadd.f32 v27, v9;
	v27 =	vand.u32 $0x7F, v49;
	v48 =	vmul.f32 v20, v20  }
0xd1: {  	v53 =	vor.u32 v4, v27;
	v51 =	vmul.f32 v20, v38;
	v20 =	vmul.f32 v20, v40  }
0xd2: {  	v10 =	vadd.f32 v46, v10;
	v11 =	vadd.f32 v50, v11  }
0xd3: {  	v55 =	vld.idx.msk [tilespmem:v21+s22+$0x0], $0xffff;
	v54 =	vmul.f32 v43, v43;
	v8 =	vadd.f32 v20, v8;
	v20 =	vmul.f32 v45, v43  }
0xd4: {  	v21 =	vld.idx.msk [tilespmem:v21+s21+$0x0], $0xffff;
	v12 =	vadd.f32 v33, v12;
	v56 =	vmul.f32 v45, v45;
	v57 =	vmul.f32 v47, v47  }
0xd5: {  	v58 =	vmul.f32 v47, v43;
	v17 =	vadd.f32 v20, v17;
	v20 =	vmul.f32 v52, v52  }
0xd6: {  	s2 =	sadd.s32 $0x5, s30;
	v59 =	vmul.f32 v47, v45;
	v61 =	vor.u32 v5, v27;
	v19 =	vadd.f32 v54, v19;
	v63 =	vld.idx.msk [tilespmem:v53+s22+$0x0], $0xffff  }
0xd7: {  	v15 =	vadd.f32 v56, v15;
	v34 =	vld.idx.msk [tilespmem:v53+s21+$0x0], $0xffff;
	v13 =	vadd.f32 v20, v13;
	v20 =	vadd.s32 s2, v0  }
0xd8: {  	v18 =	vadd.f32 v57, v18;
	v62 =	vmul.f32 v55, v55;
	v20 =	vand.u32 $0x7F, v20  }
0xd9: {  	v16 =	vadd.f32 v58, v16;
	v33 =	vmul.f32 v21, v21;
	v60 =	vld.idx.msk [tilespmem:v53+s20+$0x0], $0xffff;
	v38 =	vor.u32 v4, v20  }
0xda: {  	v14 =	vadd.f32 v59, v14;
	v35 =	vmul.f32 v55, v52;
	v36 =	vmul.f32 v21, v52  }
0xdb: {  	v21 =	vmul.f32 v21, v55;
	v10 =	vadd.f32 v62, v10;
	v37 =	vld.idx.msk [tilespmem:v61+s20+$0x0], $0xffff;
	v12 =	vadd.f32 v48, v12  }
0xdc: {  	v11 =	vadd.f32 v35, v11;
	v41 =	vld.idx.msk [tilespmem:v61+s22+$0x0], $0xffff;
	v23 =	vmul.f32 v34, v63;
	s2 =	sadd.s32 $0x6, s30;
	v20 =	vor.u32 v5, v20  }
0xdd: {  	v9 =	vadd.f32 v51, v9;
	v43 =	vld.idx.msk [tilespmem:v61+s21+$0x0], $0xffff;
	v12 =	vadd.f32 v33, v12;
	v49 =	vadd.s32 s2, v0  }
0xde: {  	v39 =	vmul.f32 v60, v60;
	v14 =	vadd.f32 v23, v14;
	v23 =	vand.u32 $0x7F, v49;
	v46 =	vld.idx.msk [tilespmem:v38+s20+$0x0], $0xffff  }
0xdf: {  	v40 =	vmul.f32 v63, v63;
	v42 =	vmul.f32 v34, v34;
	v53 =	vor.u32 v4, v23;
	v48 =	vld.idx.msk [tilespmem:v38+s22+$0x0], $0xffff  }
0xe0: {  	v9 =	vadd.f32 v36, v9;
	v44 =	vmul.f32 v63, v60;
	v24 =	vmul.f32 v34, v60;
	v51 =	vld.idx.msk [tilespmem:v38+s21+$0x0], $0xffff  }
0xe1: {  	v8 =	vadd.f32 v21, v8;
	v45 =	vmul.f32 v37, v37;
	v47 =	vmul.f32 v41, v41;
	v56 =	vld.idx.msk [tilespmem:v20+s20+$0x0], $0xffff  }
0xe2: {  	v52 =	vmul.f32 v41, v37;
	v50 =	vmul.f32 v43, v43;
	v23 =	vor.u32 v5, v23;
	v58 =	vld.idx.msk [tilespmem:v20+s22+$0x0], $0xffff  }
0xe3: {  	v28 =	vmul.f32 v43, v37;
	v19 =	vadd.f32 v39, v19;
	v15 =	vadd.f32 v40, v15;
	v20 =	vld.idx.msk [tilespmem:v20+s21+$0x0], $0xffff  }
0xe4: {  	v54 =	vmul.f32 v43, v41;
	v18 =	vadd.f32 v42, v18;
	v17 =	vadd.f32 v44, v17;
	v61 =	vld.idx.msk [tilespmem:v53+s20+$0x0], $0xffff  }
0xe5: {  	v16 =	vadd.f32 v24, v16;
	v13 =	vadd.f32 v45, v13;
	v63 =	vld.idx.msk [tilespmem:v53+s22+$0x0], $0xffff;
	v55 =	vmul.f32 v46, v46  }
0xe6: {  	v10 =	vadd.f32 v47, v10;
	v34 =	vld.idx.msk [tilespmem:v53+s21+$0x0], $0xffff;
	v57 =	vmul.f32 v48, v48;
	v59 =	vmul.f32 v51, v51  }
0xe7: {  	s2 =	sadd.s32 $0x7, s30;
	v11 =	vadd.f32 v52, v11;
	v39 =	vld.idx.msk [tilespmem:v23+s20+$0x0], $0xffff;
	v60 =	vmul.f32 v48, v46;
	v26 =	vmul.f32 v51, v46  }
0xe8: {  	v36 =	vadd.s32 s2, v0;
	v42 =	vld.idx.msk [tilespmem:v23+s22+$0x0], $0xffff;
	v24 =	vmul.f32 v51, v48;
	v62 =	vmul.f32 v56, v56  }
0xe9: {  	v12 =	vadd.f32 v50, v12;
	v23 =	vld.idx.msk [tilespmem:v23+s21+$0x0], $0xffff;
	v33 =	vmul.f32 v58, v58;
	v35 =	vmul.f32 v20, v20  }
0xea: {  	v8 =	vadd.f32 v54, v8;
	v37 =	vmul.f32 v58, v56;
	v38 =	vmul.f32 v20, v56  }
0xeb: {  	v27 =	vand.u32 $0x7F, v36;
	v20 =	vmul.f32 v20, v58;
	v41 =	vmul.f32 v61, v61  }
0xec: {  	v40 =	vor.u32 v4, v27;
	v43 =	vmul.f32 v63, v63;
	v44 =	vmul.f32 v34, v34  }
0xed: {  	v47 =	vor.u32 v5, v27;
	v45 =	vmul.f32 v34, v61;
	v22 =	vmul.f32 v34, v63  }
0xee: {  	v9 =	vadd.f32 v28, v9;
	v48 =	vmul.f32 v42, v42;
	v50 =	vmul.f32 v23, v23  }
0xef: {  	v17 =	vadd.f32 v60, v17;
	v8 =	vadd.f32 v20, v8;
	v20 =	vmul.f32 v63, v61  }
0xf0: {  	v52 =	vmul.f32 v42, v39;
	v53 =	vmul.f32 v23, v39;
	v19 =	vadd.f32 v55, v19  }
0xf1: {  	v49 =	vld.idx.msk [tilespmem:v40+s22+$0x0], $0xffff;
	v13 =	vadd.f32 v62, v13;
	v17 =	vadd.f32 v20, v17;
	v20 =	vmul.f32 v39, v39  }
0xf2: {  	s2 =	sadd.s32 $0x8, s30;
	v54 =	vld.idx.msk [tilespmem:v47+s20+$0x0], $0xffff;
	v23 =	vmul.f32 v23, v42;
	v15 =	vadd.f32 v57, v15;
	v18 =	vadd.f32 v59, v18  }
0xf3: {  	v51 =	vld.idx.msk [tilespmem:v40+s21+$0x0], $0xffff;
	v16 =	vadd.f32 v26, v16;
	v13 =	vadd.f32 v20, v13;
	v20 =	vadd.s32 s2, v0  }
0xf4: {  	v14 =	vadd.f32 v24, v14;
	v10 =	vadd.f32 v33, v10;
	v20 =	vand.u32 $0x7F, v20  }
0xf5: {  	v12 =	vadd.f32 v35, v12;
	v11 =	vadd.f32 v37, v11;
	v55 =	vor.u32 v4, v20  }
0xf6: {  	v46 =	vld.idx.msk [tilespmem:v40+s20+$0x0], $0xffff;
	v9 =	vadd.f32 v38, v9;
	v57 =	vmul.f32 v49, v49;
	v19 =	vadd.f32 v41, v19  }
0xf7: {  	v62 =	vmul.f32 v54, v54;
	v15 =	vadd.f32 v43, v15;
	v18 =	vadd.f32 v44, v18  }
0xf8: {  	v58 =	vld.idx.msk [tilespmem:v47+s22+$0x0], $0xffff;
	v14 =	vadd.f32 v22, v14;
	v22 =	vmul.f32 v51, v49;
	s2 =	sadd.s32 $0x9, s30;
	v20 =	vor.u32 v5, v20  }
0xf9: {  	v60 =	vld.idx.msk [tilespmem:v47+s21+$0x0], $0xffff;
	v16 =	vadd.f32 v45, v16;
	v10 =	vadd.f32 v48, v10;
	v35 =	vadd.s32 s2, v0  }
0xfa: {  	v12 =	vadd.f32 v50, v12;
	v14 =	vadd.f32 v22, v14;
	v22 =	vand.u32 $0x7F, v35;
	v63 =	vld.idx.msk [tilespmem:v55+s20+$0x0], $0xffff  }
0xfb: {  	v11 =	vadd.f32 v52, v11;
	v56 =	vmul.f32 v46, v46;
	v39 =	vor.u32 v4, v22;
	v34 =	vld.idx.msk [tilespmem:v55+s22+$0x0], $0xffff  }
0xfc: {  	v9 =	vadd.f32 v53, v9;
	v59 =	vmul.f32 v51, v51;
	v61 =	vmul.f32 v49, v46;
	v37 =	vld.idx.msk [tilespmem:v55+s21+$0x0], $0xffff  }
0xfd: {  	v8 =	vadd.f32 v23, v8;
	v24 =	vmul.f32 v51, v46;
	v33 =	vmul.f32 v58, v58;
	v41 =	vld.idx.msk [tilespmem:v20+s20+$0x0], $0xffff  }
0xfe: {  	v15 =	vadd.f32 v57, v15;
	v19 =	vadd.f32 v56, v19;
	v22 =	vor.u32 v5, v22;
	v43 =	vld.idx.msk [tilespmem:v20+s22+$0x0], $0xffff  }
0xff: {  	v38 =	vmul.f32 v58, v54;
	v18 =	vadd.f32 v59, v18;
	v17 =	vadd.f32 v61, v17;
	v20 =	vld.idx.msk [tilespmem:v20+s21+$0x0], $0xffff  }
0x100: {  	v16 =	vadd.f32 v24, v16;
	v36 =	vmul.f32 v60, v60;
	v28 =	vmul.f32 v60, v54;
	v46 =	vld.idx.msk [tilespmem:v39+s20+$0x0], $0xffff  }
0x101: {  	v10 =	vadd.f32 v33, v10;
	v21 =	vmul.f32 v60, v58;
	v48 =	vld.idx.msk [tilespmem:v39+s22+$0x0], $0xffff;
	v40 =	vmul.f32 v63, v63  }
0x102: {  	v11 =	vadd.f32 v38, v11;
	v50 =	vld.idx.msk [tilespmem:v39+s21+$0x0], $0xffff;
	v42 =	vmul.f32 v34, v34;
	v44 =	vmul.f32 v37, v37  }
0x103: {  	s2 =	sadd.s32 $0xA, s30;
	v13 =	vadd.f32 v62, v13;
	v55 =	vld.idx.msk [tilespmem:v22+s20+$0x0], $0xffff;
	v45 =	vmul.f32 v34, v63;
	v26 =	vmul.f32 v37, v63  }
0x104: {  	v52 =	vadd.s32 s2, v0;
	v58 =	vld.idx.msk [tilespmem:v22+s22+$0x0], $0xffff;
	v24 =	vmul.f32 v37, v34;
	v47 =	vmul.f32 v41, v41  }
0x105: {  	v12 =	vadd.f32 v36, v12;
	v22 =	vld.idx.msk [tilespmem:v22+s21+$0x0], $0xffff;
	v49 =	vmul.f32 v43, v43;
	v51 =	vmul.f32 v20, v20  }
0x106: {  	v27 =	vand.u32 $0x7F, v52;
	v53 =	vmul.f32 v43, v41;
	v54 =	vmul.f32 v20, v41  }
0x107: {  	v56 =	vor.u32 v4, v27;
	v20 =	vmul.f32 v20, v43;
	v57 =	vmul.f32 v46, v46  }
0x108: {  	v9 =	vadd.f32 v28, v9;
	v59 =	vmul.f32 v48, v48;
	v60 =	vmul.f32 v50, v50  }
0x109: {  	v8 =	vadd.f32 v21, v8;
	v61 =	vmul.f32 v50, v46;
	v23 =	vmul.f32 v50, v48  }
0x10a: {  	v63 =	vor.u32 v5, v27;
	v32 =	vmul.f32 v58, v58;
	v34 =	vmul.f32 v22, v22  }
0x10b: {  	v17 =	vadd.f32 v45, v17;
	v8 =	vadd.f32 v20, v8;
	v20 =	vmul.f32 v48, v46  }
0x10c: {  	v62 =	vld.idx.msk [tilespmem:v56+s20+$0x0], $0xffff;
	v36 =	vmul.f32 v58, v55;
	v37 =	vmul.f32 v22, v55;
	v19 =	vadd.f32 v40, v19  }
0x10d: {  	v33 =	vld.idx.msk [tilespmem:v56+s22+$0x0], $0xffff;
	v13 =	vadd.f32 v47, v13;
	v17 =	vadd.f32 v20, v17;
	v20 =	vmul.f32 v55, v55  }
0x10e: {  	s2 =	sadd.s32 $0xB, s30;
	v35 =	vld.idx.msk [tilespmem:v56+s21+$0x0], $0xffff;
	v22 =	vmul.f32 v22, v58;
	v15 =	vadd.f32 v42, v15;
	v18 =	vadd.f32 v44, v18  }
0x10f: {  	v16 =	vadd.f32 v26, v16;
	v13 =	vadd.f32 v20, v13;
	v20 =	vadd.s32 s2, v0  }
0x110: {  	v14 =	vadd.f32 v24, v14;
	v10 =	vadd.f32 v49, v10;
	v20 =	vand.u32 $0x7F, v20  }
0x111: {  	v12 =	vadd.f32 v51, v12;
	v11 =	vadd.f32 v53, v11;
	v39 =	vor.u32 v4, v20  }
0x112: {  	v9 =	vadd.f32 v54, v9;
	v40 =	vmul.f32 v62, v62;
	v41 =	vmul.f32 v33, v33  }
0x113: {  	v43 =	vmul.f32 v35, v35;
	v19 =	vadd.f32 v57, v19;
	v15 =	vadd.f32 v59, v15;
	v38 =	vld.idx.msk [tilespmem:v63+s20+$0x0], $0xffff  }
0x114: {  	v14 =	vadd.f32 v23, v14;
	v23 =	vmul.f32 v35, v33;
	v42 =	vld.idx.msk [tilespmem:v63+s22+$0x0], $0xffff;
	s2 =	sadd.s32 $0xC, s30;
	v20 =	vor.u32 v5, v20  }
0x115: {  	v18 =	vadd.f32 v60, v18;
	v16 =	vadd.f32 v61, v16;
	v44 =	vld.idx.msk [tilespmem:v63+s21+$0x0], $0xffff;
	v50 =	vadd.s32 s2, v0  }
0x116: {  	v10 =	vadd.f32 v32, v10;
	v14 =	vadd.f32 v23, v14;
	v23 =	vand.u32 $0x7F, v50;
	v47 =	vld.idx.msk [tilespmem:v39+s20+$0x0], $0xffff  }
0x117: {  	v12 =	vadd.f32 v34, v12;
	v11 =	vadd.f32 v36, v11;
	v54 =	vor.u32 v4, v23;
	v49 =	vld.idx.msk [tilespmem:v39+s22+$0x0], $0xffff  }
0x118: {  	v45 =	vmul.f32 v33, v62;
	v9 =	vadd.f32 v37, v9;
	v8 =	vadd.f32 v22, v8;
	v52 =	vld.idx.msk [tilespmem:v39+s21+$0x0], $0xffff  }
0x119: {  	v24 =	vmul.f32 v35, v62;
	v19 =	vadd.f32 v40, v19;
	v15 =	vadd.f32 v41, v15;
	v56 =	vld.idx.msk [tilespmem:v20+s20+$0x0], $0xffff  }
0x11a: {  	v18 =	vadd.f32 v43, v18;
	v23 =	vor.u32 v5, v23;
	v46 =	vmul.f32 v38, v38;
	v58 =	vld.idx.msk [tilespmem:v20+s22+$0x0], $0xffff  }
0x11b: {  	v17 =	vadd.f32 v45, v17;
	v48 =	vmul.f32 v42, v42;
	v51 =	vmul.f32 v44, v44;
	v20 =	vld.idx.msk [tilespmem:v20+s21+$0x0], $0xffff  }
0x11c: {  	v16 =	vadd.f32 v24, v16;
	s2 =	sadd.s32 $0xD, s30;
	v53 =	vmul.f32 v42, v38;
	v28 =	vmul.f32 v44, v38;
	v61 =	vld.idx.msk [tilespmem:v54+s20+$0x0], $0xffff  }
0x11d: {  	v36 =	vadd.s32 s2, v0;
	v21 =	vmul.f32 v44, v42;
	v63 =	vld.idx.msk [tilespmem:v54+s22+$0x0], $0xffff;
	v55 =	vmul.f32 v47, v47  }
0x11e: {  	v27 =	vand.u32 $0x7F, v36;
	v34 =	vld.idx.msk [tilespmem:v54+s21+$0x0], $0xffff;
	v57 =	vmul.f32 v49, v49;
	v59 =	vmul.f32 v52, v52  }
0x11f: {  	v40 =	vor.u32 v4, v27;
	v39 =	vld.idx.msk [tilespmem:v23+s20+$0x0], $0xffff;
	v60 =	vmul.f32 v49, v47;
	v26 =	vmul.f32 v52, v47  }
0x120: {  	v13 =	vadd.f32 v46, v13;
	v42 =	vld.idx.msk [tilespmem:v23+s22+$0x0], $0xffff;
	v24 =	vmul.f32 v52, v49;
	v62 =	vmul.f32 v56, v56  }
0x121: {  	v10 =	vadd.f32 v48, v10;
	v23 =	vld.idx.msk [tilespmem:v23+s21+$0x0], $0xffff;
	v33 =	vmul.f32 v58, v58;
	v35 =	vmul.f32 v20, v20  }
0x122: {  	v12 =	vadd.f32 v51, v12;
	v37 =	vmul.f32 v58, v56;
	v38 =	vmul.f32 v20, v56  }
0x123: {  	v11 =	vadd.f32 v53, v11;
	v20 =	vmul.f32 v20, v58;
	v41 =	vmul.f32 v61, v61  }
0x124: {  	v9 =	vadd.f32 v28, v9;
	v43 =	vmul.f32 v63, v63;
	v44 =	vmul.f32 v34, v34  }
0x125: {  	v8 =	vadd.f32 v21, v8;
	v45 =	vmul.f32 v34, v61;
	v22 =	vmul.f32 v34, v63  }
0x126: {  	v47 =	vor.u32 v5, v27;
	v48 =	vmul.f32 v42, v42;
	v50 =	vmul.f32 v23, v23  }
0x127: {  	v52 =	vmul.f32 v42, v39;
	v19 =	vadd.f32 v55, v19;
	v15 =	vadd.f32 v57, v15  }
0x128: {  	v17 =	vadd.f32 v60, v17;
	v8 =	vadd.f32 v20, v8;
	v20 =	vmul.f32 v63, v61  }
0x129: {  	v46 =	vld.idx.msk [tilespmem:v40+s20+$0x0], $0xffff;
	v53 =	vmul.f32 v23, v39;
	v18 =	vadd.f32 v59, v18;
	v16 =	vadd.f32 v26, v16  }
0x12a: {  	v51 =	vld.idx.msk [tilespmem:v40+s21+$0x0], $0xffff;
	v13 =	vadd.f32 v62, v13;
	v17 =	vadd.f32 v20, v17;
	v20 =	vmul.f32 v39, v39  }
0x12b: {  	s2 =	sadd.s32 $0xE, s30;
	v23 =	vmul.f32 v23, v42;
	v14 =	vadd.f32 v24, v14;
	v10 =	vadd.f32 v33, v10  }
0x12c: {  	v12 =	vadd.f32 v35, v12;
	v13 =	vadd.f32 v20, v13;
	v20 =	vadd.s32 s2, v0  }
0x12d: {  	v11 =	vadd.f32 v37, v11;
	v9 =	vadd.f32 v38, v9;
	v20 =	vand.u32 $0x7F, v20  }
0x12e: {  	v56 =	vmul.f32 v46, v46;
	v19 =	vadd.f32 v41, v19;
	v55 =	vor.u32 v4, v20  }
0x12f: {  	v49 =	vld.idx.msk [tilespmem:v40+s22+$0x0], $0xffff;
	v59 =	vmul.f32 v51, v51;
	v15 =	vadd.f32 v43, v15;
	v18 =	vadd.f32 v44, v18  }
0x130: {  	v24 =	vmul.f32 v51, v46;
	v16 =	vadd.f32 v45, v16;
	v14 =	vadd.f32 v22, v14;
	v54 =	vld.idx.msk [tilespmem:v47+s20+$0x0], $0xffff  }
0x131: {  	v10 =	vadd.f32 v48, v10;
	v12 =	vadd.f32 v50, v12;
	v58 =	vld.idx.msk [tilespmem:v47+s22+$0x0], $0xffff;
	s2 =	sadd.s32 $0xF, s30;
	v20 =	vor.u32 v5, v20  }
0x132: {  	v11 =	vadd.f32 v52, v11;
	v9 =	vadd.f32 v53, v9;
	v60 =	vld.idx.msk [tilespmem:v47+s21+$0x0], $0xffff;
	v35 =	vadd.s32 s2, v0  }
0x133: {  	v8 =	vadd.f32 v23, v8;
	v16 =	vadd.f32 v24, v16;
	v24 =	vand.u32 $0x7F, v35;
	v63 =	vld.idx.msk [tilespmem:v55+s20+$0x0], $0xffff  }
0x134: {  	v57 =	vmul.f32 v49, v49;
	v61 =	vmul.f32 v49, v46;
	v39 =	vor.u32 v4, v24;
	v34 =	vld.idx.msk [tilespmem:v55+s22+$0x0], $0xffff  }
0x135: {  	v22 =	vmul.f32 v51, v49;
	v19 =	vadd.f32 v56, v19;
	v18 =	vadd.f32 v59, v18;
	v37 =	vld.idx.msk [tilespmem:v55+s21+$0x0], $0xffff  }
0x136: {  	v15 =	vadd.f32 v57, v15;
	v62 =	vmul.f32 v54, v54;
	v33 =	vmul.f32 v58, v58;
	v41 =	vld.idx.msk [tilespmem:v20+s20+$0x0], $0xffff  }
0x137: {  	v24 =	vor.u32 v5, v24;
	v36 =	vmul.f32 v60, v60;
	v38 =	vmul.f32 v58, v54;
	v42 =	vld.idx.msk [tilespmem:v20+s22+$0x0], $0xffff  }
0x138: {  	v17 =	vadd.f32 v61, v17;
	v28 =	vmul.f32 v60, v54;
	v21 =	vmul.f32 v60, v58;
	v20 =	vld.idx.msk [tilespmem:v20+s21+$0x0], $0xffff  }
0x139: {  	v14 =	vadd.f32 v22, v14;
	v47 =	vld.idx.msk [tilespmem:v39+s20+$0x0], $0xffff;
	v40 =	vmul.f32 v63, v63;
	v43 =	vmul.f32 v34, v34  }
0x13a: {  	v13 =	vadd.f32 v62, v13;
	v51 =	vld.idx.msk [tilespmem:v39+s21+$0x0], $0xffff;
	v44 =	vmul.f32 v37, v37;
	v45 =	vmul.f32 v34, v63  }
0x13b: {  	v10 =	vadd.f32 v33, v10;
	v49 =	vld.idx.msk [tilespmem:v39+s22+$0x0], $0xffff;
	v46 =	vmul.f32 v37, v63;
	v22 =	vmul.f32 v37, v34  }
0x13c: {  	v12 =	vadd.f32 v36, v12;
	v55 =	vld.idx.msk [tilespmem:v24+s20+$0x0], $0xffff;
	v48 =	vmul.f32 v41, v41;
	v50 =	vmul.f32 v42, v42  }
0x13d: {  	v11 =	vadd.f32 v38, v11;
	v58 =	vld.idx.msk [tilespmem:v24+s21+$0x0], $0xffff;
	v52 =	vmul.f32 v20, v20;
	v53 =	vmul.f32 v42, v41  }
0x13e: {  	v9 =	vadd.f32 v28, v9;
	v54 =	vmul.f32 v20, v41;
	v20 =	vmul.f32 v20, v42  }
0x13f: {  	v8 =	vadd.f32 v21, v8;
	v57 =	vld.idx.msk [tilespmem:v24+s22+$0x0], $0xffff;
	v56 =	vmul.f32 v47, v47;
	v59 =	vmul.f32 v51, v51  }
0x140: {  	v60 =	vmul.f32 v49, v47;
	v19 =	vadd.f32 v40, v19;
	v15 =	vadd.f32 v43, v15  }
0x141: {  	v61 =	vmul.f32 v55, v55;
	v18 =	vadd.f32 v44, v18;
	v17 =	vadd.f32 v45, v17  }
0x142: {  	v62 =	vmul.f32 v58, v58;
	v16 =	vadd.f32 v46, v16;
	v14 =	vadd.f32 v22, v14  }
0x143: {  	v13 =	vadd.f32 v48, v13;
	v8 =	vadd.f32 v20, v8;
	v20 =	vmul.f32 v49, v49  }
0x144: {  	v63 =	vmul.f32 v57, v55;
	v10 =	vadd.f32 v50, v10;
	v12 =	vadd.f32 v52, v12  }
0x145: {  	v11 =	vadd.f32 v53, v11;
	v15 =	vadd.f32 v20, v15;
	v20 =	vmul.f32 v51, v47  }
0x146: {  	p0 =	slt.u32 s30, $0x70;
	v9 =	vadd.f32 v54, v9;
	v22 =	vmul.f32 v51, v49;
	v19 =	vadd.f32 v56, v19  }
.Ltmp0:
0x147: {  	v18 =	vadd.f32 v59, v18;
	v16 =	vadd.f32 v20, v16;
	v20 =	vmul.f32 v57, v57;
	(pc) =	sbr.rel @p0 .LBB2_3-.Ltmp0, $4  }
0x148: {  	v21 =	vmul.f32 v58, v57;
	v17 =	vadd.f32 v60, v17;
	v14 =	vadd.f32 v22, v14  }
0x149: {  	v13 =	vadd.f32 v61, v13;
	v10 =	vadd.f32 v20, v10;
	v20 =	vmul.f32 v58, v55  }
0x14a: {  	v12 =	vadd.f32 v62, v12;
	v11 =	vadd.f32 v63, v11  }
0x14b: {  	s30 =	sadd.s32 $0x10, s30;
	v8 =	vadd.f32 v21, v8;
	v9 =	vadd.f32 v20, v9  }
0x14c: {  	v4 =	vmax.f32 v19, $1.000000020e-24;
	v6 =	vmax.f32 v18, $1.000000020e-24  }
0x14d: {  	v22 =	vmax.f32 v13, $1.000000020e-24;
	v24 =	vmax.f32 v12, $1.000000020e-24;
	v5 =	vshrl.u32 v4, $0x1  }
0x14e: {  	v4 =	vmul.f32 $5.000000000e-01, v4;
	v7 =	vshrl.u32 v6, $0x1;
	v6 =	vmul.f32 $5.000000000e-01, v6  }
0x14f: {  	v23 =	vshrl.u32 v22, $0x1;
	v25 =	vshrl.u32 v24, $0x1;
	v5 =	vsub.s32 $0x5F3759DF, v5  }
0x150: {  	v24 =	vmul.f32 $5.000000000e-01, v24;
	v7 =	vsub.s32 $0x5F3759DF, v7;
	v20 =	vmul.f32 v5, v4  }
0x151: {  	v22 =	vmul.f32 $5.000000000e-01, v22;
	v25 =	vsub.s32 $0x5F3759DF, v25;
	v21 =	vmul.f32 v7, v6  }
0x152: {  	v23 =	vsub.s32 $0x5F3759DF, v23;
	v27 =	vmul.f32 v25, v24;
	v20 =	vmul.f32 v5, v20  }
0x153: {  	v26 =	vmul.f32 v23, v22;
	v21 =	vmul.f32 v7, v21  }
0x154: {  	v27 =	vmul.f32 v25, v27;
	v20 =	vsub.f32 $1.500000000e+00, v20  }
0x155: {  	v26 =	vmul.f32 v23, v26;
	v21 =	vsub.f32 $1.500000000e+00, v21  }
0x156: {  	v40 =	vsub.f32 $1.500000000e+00, v27;
	v5 =	vmul.f32 v5, v20  }
0x157: {  	v39 =	vsub.f32 $1.500000000e+00, v26;
	v7 =	vmul.f32 v7, v21  }
0x158: {  	v21 =	vmul.f32 v25, v40;
	v41 =	vmul.f32 v5, v4  }
0x159: {  	v20 =	vmul.f32 v23, v39;
	v42 =	vmul.f32 v7, v6  }
0x15a: {  	v45 =	vmul.f32 v21, v24;
	v43 =	vmul.f32 v41, v5  }
0x15b: {  	v44 =	vmul.f32 v20, v22;
	v23 =	vmul.f32 v42, v7  }
0x15c: {  	v27 =	vmul.f32 v45, v21;
	v25 =	vsub.f32 $1.500000000e+00, v43  }
0x15d: {  	v26 =	vmul.f32 v44, v20;
	v23 =	vsub.f32 $1.500000000e+00, v23  }
0x15e: {  	v47 =	vsub.f32 $1.500000000e+00, v27;
	v5 =	vmul.f32 v25, v5  }
0x15f: {  	v46 =	vsub.f32 $1.500000000e+00, v26;
	v7 =	vmul.f32 v23, v7  }
0x160: {  	v21 =	vmul.f32 v47, v21;
	v4 =	vmul.f32 v5, v4  }
0x161: {  	v20 =	vmul.f32 v46, v20;
	v6 =	vmul.f32 v7, v6  }
0x162: {  	v23 =	vmul.f32 v21, v24;
	v4 =	vmul.f32 v4, v5  }
0x163: {  	v22 =	vmul.f32 v20, v22;
	v6 =	vmul.f32 v6, v7  }
0x164: {  	v23 =	vmul.f32 v23, v21;
	v4 =	vsub.f32 $1.500000000e+00, v4  }
0x165: {  	v22 =	vmul.f32 v22, v20;
	v6 =	vsub.f32 $1.500000000e+00, v6  }
0x166: {  	v48 =	vsub.f32 $1.500000000e+00, v23;
	v4 =	vmul.f32 v4, v5  }
0x167: {  	v5 =	vsub.f32 $1.500000000e+00, v22;
	v6 =	vmul.f32 v6, v7  }
0x168: {  	v7 =	vmul.f32 v48, v21;
	v49 =	vmul.f32 v4, v19  }
0x169: {  	v5 =	vmul.f32 v5, v20;
	v50 =	vmul.f32 v6, v4  }
0x16a: {  	v52 =	vmul.f32 v6, v18;
	v19 =	vmul.f32 v49, v4  }
0x16b: {  	v4 =	vmul.f32 v4, v17;
	v51 =	vmul.f32 v7, v5  }
0x16c: {  	v16 =	vmul.f32 v50, v16;
	v53 =	vmul.f32 v5, v13  }
0x16d: {  	v11 =	vmul.f32 v5, v11;
	v9 =	vmul.f32 v51, v9  }
0x16e: {  	v14 =	vmul.f32 v6, v14;
	v54 =	vmul.f32 v7, v12;
	v4 =	vsub.f32 v4, v16  }
0x16f: {  	v8 =	vmul.f32 v7, v8;
	v5 =	vmul.f32 v53, v5;
	v9 =	vsub.f32 v11, v9  }
0x170: {  	v6 =	vmul.f32 v52, v6;
	v55 =	vadd.f32 v19, v15;
	v4 =	vsub.f32 v4, v14  }
0x171: {  	v7 =	vmul.f32 v54, v7;
	v5 =	vadd.f32 v5, v10;
	v8 =	vsub.f32 v9, v8  }
0x172: {  	v6 =	vadd.f32 v6, v55;
	v4 =	vadd.f32 v4, v4  }
0x173: {  	v5 =	vadd.f32 v7, v5;
	v56 =	vadd.f32 v8, v8  }
0x174: {  	v4 =	vadd.f32 v4, v6  }
0x175: {  	v5 =	vadd.f32 v56, v5  }
0x176: {  	v4 =	vadd.f32 $9.999999960e-13, v4  }
0x177: {  	v5 =	vadd.f32 $9.999999960e-13, v5  }
0x178: {  	v57 =	vshrl.u32 v4, $0x1  }
0x179: {  	v58 =	vmul.f32 $5.000000000e-01, v4;
	v59 =	vshrl.u32 v5, $0x1;
	v60 =	vmul.f32 $5.000000000e-01, v5  }
0x17a: {  	v6 =	vsub.s32 $0x5F3759DF, v57;
	v8 =	vsub.s32 $0x5F3759DF, v59  }
0x17b: {  	v61 =	vmul.f32 v6, v58;
	v62 =	vmul.f32 v8, v60;
	_ =	sdelay $0x1  }
0x17c: {  	v10 =	vmul.f32 v6, v61;
	v11 =	vmul.f32 v8, v62;
	_ =	sdelay $0x1  }
0x17d: {  	v10 =	vsub.f32 $1.500000000e+00, v10;
	v11 =	vsub.f32 $1.500000000e+00, v11;
	_ =	sdelay $0x1  }
0x17e: {  	v6 =	vmul.f32 v6, v10;
	v8 =	vmul.f32 v8, v11;
	_ =	sdelay $0x1  }
0x17f: {  	v10 =	vmul.f32 v6, v58;
	v11 =	vmul.f32 v8, v60;
	_ =	sdelay $0x1  }
0x180: {  	v10 =	vmul.f32 v10, v6;
	v11 =	vmul.f32 v11, v8;
	_ =	sdelay $0x1  }
0x181: {  	v10 =	vsub.f32 $1.500000000e+00, v10;
	v11 =	vsub.f32 $1.500000000e+00, v11;
	_ =	sdelay $0x1  }
0x182: {  	v6 =	vmul.f32 v10, v6;
	v8 =	vmul.f32 v11, v8;
	_ =	sdelay $0x1  }
0x183: {  	v7 =	vmul.f32 v6, v58;
	v9 =	vmul.f32 v8, v60;
	_ =	sdelay $0x1  }
0x184: {  	v7 =	vmul.f32 v7, v6;
	v9 =	vmul.f32 v9, v8;
	_ =	sdelay $0x1  }
0x185: {  	v7 =	vsub.f32 $1.500000000e+00, v7;
	v9 =	vsub.f32 $1.500000000e+00, v9;
	_ =	sdelay $0x1  }
0x186: {  	v6 =	vmul.f32 v7, v6;
	v63 =	vmul.f32 v9, v8;
	_ =	sdelay $0x1  }
0x187: {  	v4 =	vmul.f32 v6, v4;
	v5 =	vmul.f32 v63, v5  }
0x188: {  	s29 =	sadd.s32 $0x1, s29  }
0x189: {  	p0 =	sne.s32 s29, $0x8;
	v4 =	vsub.f32 v4, v5  }
.Ltmp1:
0x18a: {  	_ = 	snop;
	(pc) =	sbr.rel @p0 .LBB2_2-.Ltmp1, $3  }
0x18b: {  	v4 =	vadd.f32 $1.000000000e+00, v4;
	_ =	sdelay $0x1  }
0x18c: {  	v4 =	vmax.f32 v4, $0.0e+00  }
0x18d: {  	v3 =	vadd.f32 v4, v3  }
0x18e: {  	s26 =	sadd.s32 $0x1, s26  }
0x18f: {  	p0 =	sne.s32 s26, s12  }
.Ltmp2:
0x190: {  	[tilespmem:$0x18300] =	vst v3;
	(pc) =	sbr.rel @p0 .LBB2_1-.Ltmp2, $4  }
0x191: {  	[hbm4b:s11+s4] =	stream.linear.scatter [tilespmem:s24], [sflag:$0x6], $0x80, $0x38;
	[tilespmem:$0x18380] =	vst v63  }
0x192: {  	_ =	swait.ge [sflag:s25], $0x80  }
0x193: {  	[sflag:s25] =	ssyncset.done $0x0  }
0x194: {  	[sflag:s25] =	ssyncadd.s32 $0xFFFFFF80  }
0x195: {  	_ =	sfence.sel $0x180000  }
0x196: {  	[bflag:$0x0] =	sbarrier.arrive $0xFFFF  }
0x197: {  	_ =	strace $0x90000047  }
0x198: {  	s0 =	stileid.u32;
	[bflag:$0x2] =	sbarrier.arrive $0xFFFF  }
0x199: {  	p0 =	sne.s32 s0, $0x0;
	s0 =	rddreg [dreg:$0x9]  }
0x19a: {  	s0 =	sadd.s32 @!p0 $0x100000, s0  }
0x19b: {  	[sflag:s0] =	ssyncadd.tile.s32 @!p0 $0x1;
	_ =	shalt  }
.Lfunc_end2:
_tile_overlayer_lowered:
.L_overlay_start_2:
0x19c: {  	(tag) =	ssettag $0x2  }
0x19d: {  	s0 =	rddreg [dreg:$0x0];
	s2 =	stileid.u32  }
0x19e: {  	s1 =	rddreg [dreg:$0x1];
	p0 =	sne.s32 s2, $0x0  }
0x19f: {  	s3 =	rddreg [dreg:$0x2];
	[bflag:$0x3] =	sbarrier.arrive $0xFFFF;
	s2 =	simm.s32 @!p0 $0x1C06  }
0x1a0: {  	[timem:s3], [sflag:s2] =	dma.local @!p0 [hbm:s0], s1  }
0x1a1: {  	s0 =	simm.s32 @!p0 $0x6  }
0x1a2: {  	_ =	swait.ge @!p0 [sflag:s0], s1  }
0x1a3: {  	s1 =	ssub.s32 @!p0 $0x0, s1;
	[sflag:s0] =	ssyncset.done @!p0 $0x0  }
0x1a4: {  	[sflag:s0] =	ssyncadd.s32 @!p0 s1  }
0x1a5: {  	[bflag:$0x3] =	sbarrier.arrive $0xFFFF  }
0x1a6: {  	_ =	shalt  }

</sc_bundles>
